<compile_context>
chip_gen: v7x
topology: tpu7x:2x2x1
jax: 0.10.2.dev20260603
libtpu: 0.0.44.dev20260713+nightly
codegen_flags: <defaults>
</compile_context>

<pallas_src>
import functools

import jax
import jax.numpy as jnp
from jax import lax
from jax.experimental import pallas as pl
from jax.experimental.pallas import tpu as pltpu
from jax.experimental.pallas import tpu_sc as plsc

N = 10000
D = 128
G = 64
NP = 10112
E = 320000
EP = 323584
NSC = 2
NT = 16
EPT = EP // (NSC * NT)
CH = 128
NCH = EPT // CH
RPT = NP // NT

_mesh = plsc.VectorSubcoreMesh(core_axis_name="c", subcore_axis_name="s")



@functools.partial(
    pl.kernel,
    out_type=jax.ShapeDtypeStruct((NSC, NP, D), jnp.float32),
    mesh=_mesh,
    scratch_types=[
        pltpu.VMEM((NCH, CH), jnp.int32),
        pltpu.VMEM((CH, D), jnp.float32),
        pltpu.VMEM_SHARED((NP, D), jnp.float32),
        pltpu.SemaphoreType.DMA,
    ],
)
def _deg_kernel(dst_hbm, ones_hbm, zeros_hbm, out_hbm, dst_i, ones_v, acc, sem):
    c = lax.axis_index("c")
    s = lax.axis_index("s")
    wid = c * NT + s
    rbase = s * RPT

    @pl.when(c == 0)
    def _():
        pltpu.sync_copy(ones_hbm.at[pl.ds(rbase, RPT)], acc.at[pl.ds(rbase, RPT)])

    @pl.when(c != 0)
    def _():
        pltpu.sync_copy(zeros_hbm.at[pl.ds(rbase, RPT)], acc.at[pl.ds(rbase, RPT)])

    pltpu.sync_copy(ones_hbm.at[pl.ds(0, CH)], ones_v)
    pltpu.sync_copy(dst_hbm.at[wid], dst_i)
    plsc.subcore_barrier()

    def body(i, _):
        pltpu.sync_copy(ones_v, acc.at[dst_i.at[i]], add=True)
        return 0

    lax.fori_loop(0, NCH, body, 0)
    plsc.subcore_barrier()
    pltpu.sync_copy(acc.at[pl.ds(rbase, RPT)], out_hbm.at[c].at[pl.ds(rbase, RPT)])


@functools.partial(
    pl.kernel,
    out_type=jax.ShapeDtypeStruct((NSC, NP, D), jnp.float32),
    mesh=_mesh,
    scratch_types=[
        pltpu.VMEM((CH,), jnp.int32),
        pltpu.VMEM((CH,), jnp.int32),
        pltpu.VMEM((NCH, CH), jnp.int32),
        pltpu.VMEM((CH, D), jnp.float32),
        pltpu.VMEM((CH, D), jnp.float32),
        pltpu.VMEM_SHARED((NP, D), jnp.float32),
        pltpu.SemaphoreType.DMA,
        pltpu.SemaphoreType.DMA,
    ],
)
def _msg_kernel(hp_hbm, src_hbm, dst_hbm, zeros_hbm, out_hbm,
                src_a, src_b, dst_i, rows_a, rows_b, acc, sem_a, sem_b):
    c = lax.axis_index("c")
    s = lax.axis_index("s")
    wid = c * NT + s
    rbase = s * RPT
    pltpu.sync_copy(zeros_hbm.at[pl.ds(rbase, RPT)], acc.at[pl.ds(rbase, RPT)])
    pltpu.sync_copy(dst_hbm.at[wid], dst_i)
    plsc.subcore_barrier()

    pltpu.sync_copy(src_hbm.at[wid].at[0], src_a)
    pltpu.async_copy(hp_hbm.at[src_a], rows_a, sem_a)

    def body(k, _):
        j = 2 * k
        pltpu.sync_copy(src_hbm.at[wid].at[j + 1], src_b)
        pltpu.async_copy(hp_hbm.at[src_b], rows_b, sem_b)
        pltpu.make_async_copy(hp_hbm.at[src_a], rows_a, sem_a).wait()
        pltpu.sync_copy(rows_a, acc.at[dst_i.at[j]], add=True)
        pltpu.sync_copy(src_hbm.at[wid].at[j + 2], src_a)
        pltpu.async_copy(hp_hbm.at[src_a], rows_a, sem_a)
        pltpu.make_async_copy(hp_hbm.at[src_b], rows_b, sem_b).wait()
        pltpu.sync_copy(rows_b, acc.at[dst_i.at[j + 1]], add=True)
        return 0

    lax.fori_loop(0, (NCH - 1) // 2, body, 0)
    pltpu.make_async_copy(hp_hbm.at[src_a], rows_a, sem_a).wait()
    pltpu.sync_copy(rows_a, acc.at[dst_i.at[NCH - 1]], add=True)
    plsc.subcore_barrier()
    pltpu.sync_copy(acc.at[pl.ds(rbase, RPT)], out_hbm.at[c].at[pl.ds(rbase, RPT)])



def _dis_col(degp_ref):
    deg = degp_ref[0, :, 0:1] + degp_ref[1, :, 0:1]
    return lax.rsqrt(deg)


def _mm_scale_body(x_ref, w_ref, degp_ref, o_ref):
    dis = _dis_col(degp_ref)
    h = jnp.dot(x_ref[...], w_ref[...], preferred_element_type=jnp.float32)
    o_ref[...] = h * dis


def _layer2_body(p_ref, hp_ref, degp_ref, b_ref, w_ref, o_ref):
    dis = _dis_col(degp_ref)
    g = jax.nn.relu((p_ref[0] + p_ref[1] + hp_ref[...]) * dis + b_ref[...])
    o_ref[...] = jnp.dot(g, w_ref[...], preferred_element_type=jnp.float32) * dis


def _final_body(p_ref, hp_ref, degp_ref, b_ref, batch_ref, wout_ref, bout_ref, o_ref):
    dis = _dis_col(degp_ref)
    g = jax.nn.relu((p_ref[0] + p_ref[1] + hp_ref[...]) * dis + b_ref[...])
    ids = lax.broadcasted_iota(jnp.int32, (G, NP), 0)
    sel = (ids == batch_ref[...]).astype(jnp.float32)
    counts = jnp.sum(sel, axis=1, keepdims=True)
    pooled = jnp.dot(sel, g, preferred_element_type=jnp.float32)
    pooled = pooled / jnp.maximum(counts, 1.0)
    o_ref[...] = jnp.dot(pooled, wout_ref[...],
                         preferred_element_type=jnp.float32) + bout_ref[...]


_mm_scale = pl.pallas_call(
    _mm_scale_body, out_shape=jax.ShapeDtypeStruct((NP, D), jnp.float32))
_layer2 = pl.pallas_call(
    _layer2_body, out_shape=jax.ShapeDtypeStruct((NP, D), jnp.float32))
_final = pl.pallas_call(
    _final_body, out_shape=jax.ShapeDtypeStruct((G, D), jnp.float32))



def kernel(x, edge_index, batch, W1, b1, W2, b2, Wout, bout):
    f32 = jnp.float32
    src = edge_index[0]
    dst = edge_index[1]
    epad = jnp.full((EP - E,), N, dtype=jnp.int32)
    src_p = jnp.concatenate([src, epad]).reshape(NSC * NT, NCH, CH)
    dst_p = jnp.concatenate([dst, epad]).reshape(NSC * NT, NCH, CH)
    x_p = jnp.concatenate([x, jnp.zeros((NP - N, D), f32)])
    batch2d = jnp.concatenate(
        [batch, jnp.full((NP - N,), G, dtype=jnp.int32)]).reshape(1, NP)
    zeros128 = jnp.zeros((NP, D), f32)
    ones128 = jnp.ones((NP, D), f32)

    degp = _deg_kernel(dst_p, ones128, zeros128)
    hp1 = _mm_scale(x_p, W1, degp)
    p1 = _msg_kernel(hp1, src_p, dst_p, zeros128)
    hp2 = _layer2(p1, hp1, degp, b1.reshape(1, D), W2)
    p2 = _msg_kernel(hp2, src_p, dst_p, zeros128)
    return _final(p2, hp2, degp, b2.reshape(1, D), batch2d, Wout,
                  bout.reshape(1, D))

# --- scband reference (transcript-rebuilt; emitter-appended) ---
"""Pipeline reference for scband-gcn-v1-16020228014637 (READ-ONLY COPY).

The authoritative reference and input builder live on the scoring server;
editing this copy changes nothing except your own understanding.
"""

import jax, jax.numpy as jnp
import numpy as np

N = 10000
E = 320000
D = 128
H = 128
O = 128
G = 64


def gcn_conv(x, src, dst, W, b, num_nodes):
    # PyG GCNConv: add self-loops, symmetric normalization, linear transform, scatter-add, bias
    loop = jnp.arange(num_nodes, dtype=src.dtype)
    s = jnp.concatenate([src, loop])
    d = jnp.concatenate([dst, loop])
    deg = jnp.zeros((num_nodes,), dtype=x.dtype).at[d].add(1.0)
    deg_inv_sqrt = jnp.where(deg > 0, deg ** -0.5, 0.0)
    norm = deg_inv_sqrt[s] * deg_inv_sqrt[d]
    h = x @ W
    msg = h[s] * norm[:, None]
    out = jnp.zeros((num_nodes, W.shape[1]), dtype=x.dtype).at[d].add(msg)
    return out + b


def global_mean_pool(x, batch, num_graphs):
    sums = jax.ops.segment_sum(x, batch, num_segments=num_graphs)
    counts = jax.ops.segment_sum(jnp.ones((x.shape[0],), dtype=x.dtype), batch, num_segments=num_graphs)
    return sums / jnp.maximum(counts, 1.0)[:, None]


def setup_inputs(seed: int = 0) -> dict:
    key = jax.random.key(seed)
    ks = jax.random.split(key, 9)
    x = jax.random.normal(ks[0], (N, D), dtype=jnp.float32)
    edge_index = jax.random.randint(ks[1], (2, E), 0, N, dtype=jnp.int32)
    batch = jnp.sort(jax.random.randint(ks[2], (N,), 0, G, dtype=jnp.int32))
    W1 = jax.random.normal(ks[3], (D, H), dtype=jnp.float32) * 0.05
    b1 = jnp.zeros((H,), dtype=jnp.float32)
    W2 = jax.random.normal(ks[4], (H, H), dtype=jnp.float32) * 0.05
    b2 = jnp.zeros((H,), dtype=jnp.float32)
    Wout = jax.random.normal(ks[5], (H, O), dtype=jnp.float32) * 0.05
    bout = jnp.zeros((O,), dtype=jnp.float32)
    return {"x": x, "edge_index": edge_index, "batch": batch,
            "W1": W1, "b1": b1, "W2": W2, "b2": b2, "Wout": Wout, "bout": bout}


def reference(x, edge_index, batch, W1, b1, W2, b2, Wout, bout):
    src, dst = edge_index[0], edge_index[1]
    # layer 1: GCNConv -> ReLU (norm=None, dropout=0.0)
    h = gcn_conv(x, src, dst, W1, b1, N)
    h = jax.nn.relu(h)
    # layer 2: GCNConv -> ReLU
    h = gcn_conv(h, src, dst, W2, b2, N)
    h = jax.nn.relu(h)
    # global mean pool over graphs in batch
    h = global_mean_pool(h, batch, G)
    # output linear
    return h @ Wout + bout

if __name__ == "__main__":
    import jax
    _d = setup_inputs()
    print(jax.jit(kernel)(*tuple(_d.values())))

</pallas_src>

<mosaic_0001>
#map = affine_map<(d0, d1) -> (0, 0)>
#map1 = affine_map<(d0, d1) -> (0, 0, 0)>
module attributes {stable_mosaic.version = 14 : i64} {
  func.func @_msg_kernel(%arg0: i32, %arg1: i32, %arg2: memref<10112x128xf32, #tpu.memory_space<hbm>>, %arg3: memref<32x79x128xi32, #tpu.memory_space<hbm>>, %arg4: memref<32x79x128xi32, #tpu.memory_space<hbm>>, %arg5: memref<10112x128xf32, #tpu.memory_space<hbm>>, %arg6: memref<2x10112x128xf32, #tpu.memory_space<hbm>>, %arg7: memref<128xi32, #tpu.memory_space<vmem>>, %arg8: memref<128xi32, #tpu.memory_space<vmem>>, %arg9: memref<79x128xi32, #tpu.memory_space<vmem>>, %arg10: memref<128x128xf32, #tpu.memory_space<vmem>>, %arg11: memref<128x128xf32, #tpu.memory_space<vmem>>, %arg12: memref<10112x128xf32, #tpu.memory_space<vmem_shared>>, %arg13: memref<!tpu.dma_semaphore, #tpu.memory_space<semaphore_mem>>, %arg14: memref<!tpu.dma_semaphore, #tpu.memory_space<semaphore_mem>>) attributes {dimension_semantics = [#tpu.dimension_semantics<core_parallel>, #tpu.dimension_semantics<subcore_parallel>], iteration_bounds = array<i64: 2, 16>, scalar_prefetch = 0 : i64, scratch_operands = 8 : i64, tpu.core_type = #tpu.core_type<sc_vector_subcore>, window_params = [{transform_indices = #map}, {transform_indices = #map1}, {transform_indices = #map1}, {transform_indices = #map}, {transform_indices = #map1}]} {
    %mul3A = arith.constant 16 : i32
    %mul3A_0 = arith.muli %arg0, %mul3A : i32
    %add3A = arith.addi %mul3A_0, %arg1 : i32
    %mul3A_1 = arith.constant 632 : i32
    %mul3A_2 = arith.muli %arg1, %mul3A_1 : i32
    "tpu.region"() ({
      %run_scoped3A_15 = tpu.sem_alloc : memref<!tpu.dma_semaphore, #tpu.memory_space<semaphore_mem>>
      %dma_start3A_16 = arith.constant 0 : i32
      %dma_start3A_17 = tpu.memref_slice %arg12[%mul3A_2, %dma_start3A_16] : memref<10112x128xf32, #tpu.memory_space<vmem_shared>> -> memref<632x128xf32, #tpu.memory_space<vmem_shared>>
      %dma_start3A_18 = arith.constant 0 : i32
      %dma_start3A_19 = tpu.memref_slice %arg5[%mul3A_2, %dma_start3A_18] : memref<10112x128xf32, #tpu.memory_space<hbm>> -> memref<632x128xf32, #tpu.memory_space<hbm>>
      tpu.enqueue_dma source(%dma_start3A_19 : memref<632x128xf32, #tpu.memory_space<hbm>>) target(%dma_start3A_17 : memref<632x128xf32, #tpu.memory_space<vmem_shared>>) target_semaphore(%run_scoped3A_15 : memref<!tpu.dma_semaphore, #tpu.memory_space<semaphore_mem>>)
      %dma_wait3A_20 = arith.constant 0 : i32
      %dma_wait3A_21 = tpu.memref_slice %arg12[%mul3A_2, %dma_wait3A_20] : memref<10112x128xf32, #tpu.memory_space<vmem_shared>> -> memref<632x128xf32, #tpu.memory_space<vmem_shared>>
      %dma_wait3A_22 = arith.constant 0 : i32
      %dma_wait3A_23 = tpu.memref_slice %arg5[%mul3A_2, %dma_wait3A_22] : memref<10112x128xf32, #tpu.memory_space<hbm>> -> memref<632x128xf32, #tpu.memory_space<hbm>>
      tpu.wait_dma2 semaphore(%run_scoped3A_15 : memref<!tpu.dma_semaphore, #tpu.memory_space<semaphore_mem>>) src(%dma_wait3A_23 : memref<632x128xf32, #tpu.memory_space<hbm>>) dst(%dma_wait3A_21 : memref<632x128xf32, #tpu.memory_space<vmem_shared>>)
      tpu.yield
    }) : () -> ()
    "tpu.region"() ({
      %run_scoped3A_15 = tpu.sem_alloc : memref<!tpu.dma_semaphore, #tpu.memory_space<semaphore_mem>>
      %dma_start3A_16 = arith.constant 0 : i32
      %dma_start3A_17 = arith.constant 0 : i32
      %dma_start3A_18 = tpu.memref_slice %arg4[%add3A, %dma_start3A_16, %dma_start3A_17] : memref<32x79x128xi32, #tpu.memory_space<hbm>> -> memref<1x79x128xi32, #tpu.memory_space<hbm>>
      %dma_start3A_19 = tpu.memref_squeeze %dma_start3A_18 : memref<1x79x128xi32, #tpu.memory_space<hbm>> -> memref<79x128xi32, #tpu.memory_space<hbm>>
      %dma_start3A_20 = arith.constant 0 : i32
      %dma_start3A_21 = arith.constant 0 : i32
      %dma_start3A_22 = tpu.memref_slice %arg4[%add3A, %dma_start3A_20, %dma_start3A_21] : memref<32x79x128xi32, #tpu.memory_space<hbm>> -> memref<1x79x128xi32, #tpu.memory_space<hbm>>
      %dma_start3A_23 = tpu.memref_squeeze %dma_start3A_22 : memref<1x79x128xi32, #tpu.memory_space<hbm>> -> memref<79x128xi32, #tpu.memory_space<hbm>>
      tpu.enqueue_dma source(%dma_start3A_23 : memref<79x128xi32, #tpu.memory_space<hbm>>) target(%arg9 : memref<79x128xi32, #tpu.memory_space<vmem>>) target_semaphore(%run_scoped3A_15 : memref<!tpu.dma_semaphore, #tpu.memory_space<semaphore_mem>>)
      %dma_wait3A_24 = arith.constant 0 : i32
      %dma_wait3A_25 = arith.constant 0 : i32
      %dma_wait3A_26 = tpu.memref_slice %arg4[%add3A, %dma_wait3A_24, %dma_wait3A_25] : memref<32x79x128xi32, #tpu.memory_space<hbm>> -> memref<1x79x128xi32, #tpu.memory_space<hbm>>
      %dma_wait3A_27 = tpu.memref_squeeze %dma_wait3A_26 : memref<1x79x128xi32, #tpu.memory_space<hbm>> -> memref<79x128xi32, #tpu.memory_space<hbm>>
      %dma_wait3A_28 = arith.constant 0 : i32
      %dma_wait3A_29 = arith.constant 0 : i32
      %dma_wait3A_30 = tpu.memref_slice %arg4[%add3A, %dma_wait3A_28, %dma_wait3A_29] : memref<32x79x128xi32, #tpu.memory_space<hbm>> -> memref<1x79x128xi32, #tpu.memory_space<hbm>>
      %dma_wait3A_31 = tpu.memref_squeeze %dma_wait3A_30 : memref<1x79x128xi32, #tpu.memory_space<hbm>> -> memref<79x128xi32, #tpu.memory_space<hbm>>
      tpu.wait_dma2 semaphore(%run_scoped3A_15 : memref<!tpu.dma_semaphore, #tpu.memory_space<semaphore_mem>>) src(%dma_wait3A_31 : memref<79x128xi32, #tpu.memory_space<hbm>>) dst(%arg9 : memref<79x128xi32, #tpu.memory_space<vmem>>)
      tpu.yield
    }) : () -> ()
    %barrier3A = arith.constant 0 : index
    tpu.barrier barrier_id(%barrier3A)
    %run_scoped3A = arith.constant 0 : i32
    "tpu.region"() ({
      %run_scoped3A_15 = tpu.sem_alloc : memref<!tpu.dma_semaphore, #tpu.memory_space<semaphore_mem>>
      %dma_start3A_16 = arith.constant 0 : i32
      %dma_start3A_17 = arith.constant 0 : i32
      %dma_start3A_18 = tpu.memref_slice %arg3[%add3A, %dma_start3A_16, %dma_start3A_17] : memref<32x79x128xi32, #tpu.memory_space<hbm>> -> memref<1x79x128xi32, #tpu.memory_space<hbm>>
      %dma_start3A_19 = tpu.memref_squeeze %dma_start3A_18 : memref<1x79x128xi32, #tpu.memory_space<hbm>> -> memref<79x128xi32, #tpu.memory_space<hbm>>
      %dma_start3A_20 = arith.constant 0 : i32
      %dma_start3A_21 = tpu.memref_slice %dma_start3A_19[%run_scoped3A, %dma_start3A_20] : memref<79x128xi32, #tpu.memory_space<hbm>> -> memref<1x128xi32, #tpu.memory_space<hbm>>
      %dma_start3A_22 = tpu.memref_squeeze %dma_start3A_21 : memref<1x128xi32, #tpu.memory_space<hbm>> -> memref<128xi32, #tpu.memory_space<hbm>>
      %dma_start3A_23 = arith.constant 0 : i32
      %dma_start3A_24 = arith.constant 0 : i32
      %dma_start3A_25 = tpu.memref_slice %arg3[%add3A, %dma_start3A_23, %dma_start3A_24] : memref<32x79x128xi32, #tpu.memory_space<hbm>> -> memref<1x79x128xi32, #tpu.memory_space<hbm>>
      %dma_start3A_26 = tpu.memref_squeeze %dma_start3A_25 : memref<1x79x128xi32, #tpu.memory_space<hbm>> -> memref<79x128xi32, #tpu.memory_space<hbm>>
      %dma_start3A_27 = arith.constant 0 : i32
      %dma_start3A_28 = tpu.memref_slice %dma_start3A_26[%run_scoped3A, %dma_start3A_27] : memref<79x128xi32, #tpu.memory_space<hbm>> -> memref<1x128xi32, #tpu.memory_space<hbm>>
      %dma_start3A_29 = tpu.memref_squeeze %dma_start3A_28 : memref<1x128xi32, #tpu.memory_space<hbm>> -> memref<128xi32, #tpu.memory_space<hbm>>
      tpu.enqueue_dma source(%dma_start3A_29 : memref<128xi32, #tpu.memory_space<hbm>>) target(%arg7 : memref<128xi32, #tpu.memory_space<vmem>>) target_semaphore(%run_scoped3A_15 : memref<!tpu.dma_semaphore, #tpu.memory_space<semaphore_mem>>)
      %dma_wait3A_30 = arith.constant 0 : i32
      %dma_wait3A_31 = arith.constant 0 : i32
      %dma_wait3A_32 = tpu.memref_slice %arg3[%add3A, %dma_wait3A_30, %dma_wait3A_31] : memref<32x79x128xi32, #tpu.memory_space<hbm>> -> memref<1x79x128xi32, #tpu.memory_space<hbm>>
      %dma_wait3A_33 = tpu.memref_squeeze %dma_wait3A_32 : memref<1x79x128xi32, #tpu.memory_space<hbm>> -> memref<79x128xi32, #tpu.memory_space<hbm>>
      %dma_wait3A_34 = arith.constant 0 : i32
      %dma_wait3A_35 = tpu.memref_slice %dma_wait3A_33[%run_scoped3A, %dma_wait3A_34] : memref<79x128xi32, #tpu.memory_space<hbm>> -> memref<1x128xi32, #tpu.memory_space<hbm>>
      %dma_wait3A_36 = tpu.memref_squeeze %dma_wait3A_35 : memref<1x128xi32, #tpu.memory_space<hbm>> -> memref<128xi32, #tpu.memory_space<hbm>>
      %dma_wait3A_37 = arith.constant 0 : i32
      %dma_wait3A_38 = arith.constant 0 : i32
      %dma_wait3A_39 = tpu.memref_slice %arg3[%add3A, %dma_wait3A_37, %dma_wait3A_38] : memref<32x79x128xi32, #tpu.memory_space<hbm>> -> memref<1x79x128xi32, #tpu.memory_space<hbm>>
      %dma_wait3A_40 = tpu.memref_squeeze %dma_wait3A_39 : memref<1x79x128xi32, #tpu.memory_space<hbm>> -> memref<79x128xi32, #tpu.memory_space<hbm>>
      %dma_wait3A_41 = arith.constant 0 : i32
      %dma_wait3A_42 = tpu.memref_slice %dma_wait3A_40[%run_scoped3A, %dma_wait3A_41] : memref<79x128xi32, #tpu.memory_space<hbm>> -> memref<1x128xi32, #tpu.memory_space<hbm>>
      %dma_wait3A_43 = tpu.memref_squeeze %dma_wait3A_42 : memref<1x128xi32, #tpu.memory_space<hbm>> -> memref<128xi32, #tpu.memory_space<hbm>>
      tpu.wait_dma2 semaphore(%run_scoped3A_15 : memref<!tpu.dma_semaphore, #tpu.memory_space<semaphore_mem>>) src(%dma_wait3A_43 : memref<128xi32, #tpu.memory_space<hbm>>) dst(%arg7 : memref<128xi32, #tpu.memory_space<vmem>>)
      tpu.yield
    }) : () -> ()
    %dma_start3A = arith.constant 0 : i32
    %dma_start3A_3 = arith.constant 0 : i32
    %dma_start3A_4 = tpu.memref_slice %arg2[%dma_start3A, %dma_start3A_3] : memref<10112x128xf32, #tpu.memory_space<hbm>> -> memref<10112x128xf32, #tpu.memory_space<hbm>>
    tpu.enqueue_indirect_dma source(%dma_start3A_4 : memref<10112x128xf32, #tpu.memory_space<hbm>>) target(%arg10 : memref<128x128xf32, #tpu.memory_space<vmem>>) offsets(%arg7 : memref<128xi32, #tpu.memory_space<vmem>>) semaphore(%arg13 : memref<!tpu.dma_semaphore, #tpu.memory_space<semaphore_mem>>)
    %scan3A = arith.constant 0 : i32
    %scan3A_5 = arith.constant 0 : i32
    %scan3A_6 = arith.constant 39 : i32
    %scan3A_7 = arith.addi %scan3A_5, %scan3A_6 : i32
    %scan3A_8 = arith.constant 1 : i32
    %scan3A_9 = scf.for %scan3A_15 = %scan3A_5 to %scan3A_7 step %scan3A_8 iter_args(%scan3A_16 = %scan3A) -> (i32)  : i32 {
      %mul3A_17 = arith.constant 2 : i32
      %mul3A_18 = arith.muli %mul3A_17, %scan3A_15 : i32
      %add3A_19 = arith.constant 1 : i32
      %add3A_20 = arith.addi %mul3A_18, %add3A_19 : i32
      "tpu.region"() ({
        %run_scoped3A_38 = tpu.sem_alloc : memref<!tpu.dma_semaphore, #tpu.memory_space<semaphore_mem>>
        %dma_start3A_39 = arith.constant 0 : i32
        %dma_start3A_40 = arith.constant 0 : i32
        %dma_start3A_41 = tpu.memref_slice %arg3[%add3A, %dma_start3A_39, %dma_start3A_40] : memref<32x79x128xi32, #tpu.memory_space<hbm>> -> memref<1x79x128xi32, #tpu.memory_space<hbm>>
        %dma_start3A_42 = tpu.memref_squeeze %dma_start3A_41 : memref<1x79x128xi32, #tpu.memory_space<hbm>> -> memref<79x128xi32, #tpu.memory_space<hbm>>
        %dma_start3A_43 = arith.constant 0 : i32
        %dma_start3A_44 = tpu.memref_slice %dma_start3A_42[%add3A_20, %dma_start3A_43] : memref<79x128xi32, #tpu.memory_space<hbm>> -> memref<1x128xi32, #tpu.memory_space<hbm>>
        %dma_start3A_45 = tpu.memref_squeeze %dma_start3A_44 : memref<1x128xi32, #tpu.memory_space<hbm>> -> memref<128xi32, #tpu.memory_space<hbm>>
        %dma_start3A_46 = arith.constant 0 : i32
        %dma_start3A_47 = arith.constant 0 : i32
        %dma_start3A_48 = tpu.memref_slice %arg3[%add3A, %dma_start3A_46, %dma_start3A_47] : memref<32x79x128xi32, #tpu.memory_space<hbm>> -> memref<1x79x128xi32, #tpu.memory_space<hbm>>
        %dma_start3A_49 = tpu.memref_squeeze %dma_start3A_48 : memref<1x79x128xi32, #tpu.memory_space<hbm>> -> memref<79x128xi32, #tpu.memory_space<hbm>>
        %dma_start3A_50 = arith.constant 0 : i32
        %dma_start3A_51 = tpu.memref_slice %dma_start3A_49[%add3A_20, %dma_start3A_50] : memref<79x128xi32, #tpu.memory_space<hbm>> -> memref<1x128xi32, #tpu.memory_space<hbm>>
        %dma_start3A_52 = tpu.memref_squeeze %dma_start3A_51 : memref<1x128xi32, #tpu.memory_space<hbm>> -> memref<128xi32, #tpu.memory_space<hbm>>
        tpu.enqueue_dma source(%dma_start3A_52 : memref<128xi32, #tpu.memory_space<hbm>>) target(%arg8 : memref<128xi32, #tpu.memory_space<vmem>>) target_semaphore(%run_scoped3A_38 : memref<!tpu.dma_semaphore, #tpu.memory_space<semaphore_mem>>)
        %dma_wait3A_53 = arith.constant 0 : i32
        %dma_wait3A_54 = arith.constant 0 : i32
        %dma_wait3A_55 = tpu.memref_slice %arg3[%add3A, %dma_wait3A_53, %dma_wait3A_54] : memref<32x79x128xi32, #tpu.memory_space<hbm>> -> memref<1x79x128xi32, #tpu.memory_space<hbm>>
        %dma_wait3A_56 = tpu.memref_squeeze %dma_wait3A_55 : memref<1x79x128xi32, #tpu.memory_space<hbm>> -> memref<79x128xi32, #tpu.memory_space<hbm>>
        %dma_wait3A_57 = arith.constant 0 : i32
        %dma_wait3A_58 = tpu.memref_slice %dma_wait3A_56[%add3A_20, %dma_wait3A_57] : memref<79x128xi32, #tpu.memory_space<hbm>> -> memref<1x128xi32, #tpu.memory_space<hbm>>
        %dma_wait3A_59 = tpu.memref_squeeze %dma_wait3A_58 : memref<1x128xi32, #tpu.memory_space<hbm>> -> memref<128xi32, #tpu.memory_space<hbm>>
        %dma_wait3A_60 = arith.constant 0 : i32
        %dma_wait3A_61 = arith.constant 0 : i32
        %dma_wait3A_62 = tpu.memref_slice %arg3[%add3A, %dma_wait3A_60, %dma_wait3A_61] : memref<32x79x128xi32, #tpu.memory_space<hbm>> -> memref<1x79x128xi32, #tpu.memory_space<hbm>>
        %dma_wait3A_63 = tpu.memref_squeeze %dma_wait3A_62 : memref<1x79x128xi32, #tpu.memory_space<hbm>> -> memref<79x128xi32, #tpu.memory_space<hbm>>
        %dma_wait3A_64 = arith.constant 0 : i32
        %dma_wait3A_65 = tpu.memref_slice %dma_wait3A_63[%add3A_20, %dma_wait3A_64] : memref<79x128xi32, #tpu.memory_space<hbm>> -> memref<1x128xi32, #tpu.memory_space<hbm>>
        %dma_wait3A_66 = tpu.memref_squeeze %dma_wait3A_65 : memref<1x128xi32, #tpu.memory_space<hbm>> -> memref<128xi32, #tpu.memory_space<hbm>>
        tpu.wait_dma2 semaphore(%run_scoped3A_38 : memref<!tpu.dma_semaphore, #tpu.memory_space<semaphore_mem>>) src(%dma_wait3A_66 : memref<128xi32, #tpu.memory_space<hbm>>) dst(%arg8 : memref<128xi32, #tpu.memory_space<vmem>>)
        tpu.yield
      }) : () -> ()
      %dma_start3A_21 = arith.constant 0 : i32
      %dma_start3A_22 = arith.constant 0 : i32
      %dma_start3A_23 = tpu.memref_slice %arg2[%dma_start3A_21, %dma_start3A_22] : memref<10112x128xf32, #tpu.memory_space<hbm>> -> memref<10112x128xf32, #tpu.memory_space<hbm>>
      tpu.enqueue_indirect_dma source(%dma_start3A_23 : memref<10112x128xf32, #tpu.memory_space<hbm>>) target(%arg11 : memref<128x128xf32, #tpu.memory_space<vmem>>) offsets(%arg8 : memref<128xi32, #tpu.memory_space<vmem>>) semaphore(%arg14 : memref<!tpu.dma_semaphore, #tpu.memory_space<semaphore_mem>>)
      %dma_wait3A_24 = arith.constant 0 : i32
      %dma_wait3A_25 = arith.constant 0 : i32
      %dma_wait3A_26 = tpu.memref_slice %arg2[%dma_wait3A_24, %dma_wait3A_25] : memref<10112x128xf32, #tpu.memory_space<hbm>> -> memref<10112x128xf32, #tpu.memory_space<hbm>>
      tpu.wait_indirect_dma semaphore(%arg13 : memref<!tpu.dma_semaphore, #tpu.memory_space<semaphore_mem>>) src(%dma_wait3A_26 : memref<10112x128xf32, #tpu.memory_space<hbm>>) dst(%arg10 : memref<128x128xf32, #tpu.memory_space<vmem>>)
      "tpu.region"() ({
        %run_scoped3A_38 = tpu.sem_alloc : memref<!tpu.dma_semaphore, #tpu.memory_space<semaphore_mem>>
        %dma_start3A_39 = arith.constant 0 : i32
        %dma_start3A_40 = tpu.memref_slice %arg9[%mul3A_18, %dma_start3A_39] : memref<79x128xi32, #tpu.memory_space<vmem>> -> memref<1x128xi32, #tpu.memory_space<vmem>>
        %dma_start3A_41 = tpu.memref_squeeze %dma_start3A_40 : memref<1x128xi32, #tpu.memory_space<vmem>> -> memref<128xi32, #tpu.memory_space<vmem>>
        %dma_start3A_42 = arith.constant 0 : i32
        %dma_start3A_43 = arith.constant 0 : i32
        %dma_start3A_44 = tpu.memref_slice %arg12[%dma_start3A_42, %dma_start3A_43] : memref<10112x128xf32, #tpu.memory_space<vmem_shared>> -> memref<10112x128xf32, #tpu.memory_space<vmem_shared>>
        tpu.enqueue_indirect_dma source(%arg10 : memref<128x128xf32, #tpu.memory_space<vmem>>) target(%dma_start3A_44 : memref<10112x128xf32, #tpu.memory_space<vmem_shared>>) offsets(%dma_start3A_41 : memref<128xi32, #tpu.memory_space<vmem>>) semaphore(%run_scoped3A_38 : memref<!tpu.dma_semaphore, #tpu.memory_space<semaphore_mem>>) {add = true}
        %dma_wait3A_45 = arith.constant 0 : i32
        %dma_wait3A_46 = tpu.memref_slice %arg9[%mul3A_18, %dma_wait3A_45] : memref<79x128xi32, #tpu.memory_space<vmem>> -> memref<1x128xi32, #tpu.memory_space<vmem>>
        %dma_wait3A_47 = tpu.memref_squeeze %dma_wait3A_46 : memref<1x128xi32, #tpu.memory_space<vmem>> -> memref<128xi32, #tpu.memory_space<vmem>>
        %dma_wait3A_48 = arith.constant 0 : i32
        %dma_wait3A_49 = arith.constant 0 : i32
        %dma_wait3A_50 = tpu.memref_slice %arg12[%dma_wait3A_48, %dma_wait3A_49] : memref<10112x128xf32, #tpu.memory_space<vmem_shared>> -> memref<10112x128xf32, #tpu.memory_space<vmem_shared>>
        tpu.wait_indirect_dma semaphore(%run_scoped3A_38 : memref<!tpu.dma_semaphore, #tpu.memory_space<semaphore_mem>>) src(%arg10 : memref<128x128xf32, #tpu.memory_space<vmem>>) dst(%dma_wait3A_50 : memref<10112x128xf32, #tpu.memory_space<vmem_shared>>)
        tpu.yield
      }) : () -> ()
      %add3A_27 = arith.constant 2 : i32
      %add3A_28 = arith.addi %mul3A_18, %add3A_27 : i32
      "tpu.region"() ({
        %run_scoped3A_38 = tpu.sem_alloc : memref<!tpu.dma_semaphore, #tpu.memory_space<semaphore_mem>>
        %dma_start3A_39 = arith.constant 0 : i32
        %dma_start3A_40 = arith.constant 0 : i32
        %dma_start3A_41 = tpu.memref_slice %arg3[%add3A, %dma_start3A_39, %dma_start3A_40] : memref<32x79x128xi32, #tpu.memory_space<hbm>> -> memref<1x79x128xi32, #tpu.memory_space<hbm>>
        %dma_start3A_42 = tpu.memref_squeeze %dma_start3A_41 : memref<1x79x128xi32, #tpu.memory_space<hbm>> -> memref<79x128xi32, #tpu.memory_space<hbm>>
        %dma_start3A_43 = arith.constant 0 : i32
        %dma_start3A_44 = tpu.memref_slice %dma_start3A_42[%add3A_28, %dma_start3A_43] : memref<79x128xi32, #tpu.memory_space<hbm>> -> memref<1x128xi32, #tpu.memory_space<hbm>>
        %dma_start3A_45 = tpu.memref_squeeze %dma_start3A_44 : memref<1x128xi32, #tpu.memory_space<hbm>> -> memref<128xi32, #tpu.memory_space<hbm>>
        %dma_start3A_46 = arith.constant 0 : i32
        %dma_start3A_47 = arith.constant 0 : i32
        %dma_start3A_48 = tpu.memref_slice %arg3[%add3A, %dma_start3A_46, %dma_start3A_47] : memref<32x79x128xi32, #tpu.memory_space<hbm>> -> memref<1x79x128xi32, #tpu.memory_space<hbm>>
        %dma_start3A_49 = tpu.memref_squeeze %dma_start3A_48 : memref<1x79x128xi32, #tpu.memory_space<hbm>> -> memref<79x128xi32, #tpu.memory_space<hbm>>
        %dma_start3A_50 = arith.constant 0 : i32
        %dma_start3A_51 = tpu.memref_slice %dma_start3A_49[%add3A_28, %dma_start3A_50] : memref<79x128xi32, #tpu.memory_space<hbm>> -> memref<1x128xi32, #tpu.memory_space<hbm>>
        %dma_start3A_52 = tpu.memref_squeeze %dma_start3A_51 : memref<1x128xi32, #tpu.memory_space<hbm>> -> memref<128xi32, #tpu.memory_space<hbm>>
        tpu.enqueue_dma source(%dma_start3A_52 : memref<128xi32, #tpu.memory_space<hbm>>) target(%arg7 : memref<128xi32, #tpu.memory_space<vmem>>) target_semaphore(%run_scoped3A_38 : memref<!tpu.dma_semaphore, #tpu.memory_space<semaphore_mem>>)
        %dma_wait3A_53 = arith.constant 0 : i32
        %dma_wait3A_54 = arith.constant 0 : i32
        %dma_wait3A_55 = tpu.memref_slice %arg3[%add3A, %dma_wait3A_53, %dma_wait3A_54] : memref<32x79x128xi32, #tpu.memory_space<hbm>> -> memref<1x79x128xi32, #tpu.memory_space<hbm>>
        %dma_wait3A_56 = tpu.memref_squeeze %dma_wait3A_55 : memref<1x79x128xi32, #tpu.memory_space<hbm>> -> memref<79x128xi32, #tpu.memory_space<hbm>>
        %dma_wait3A_57 = arith.constant 0 : i32
        %dma_wait3A_58 = tpu.memref_slice %dma_wait3A_56[%add3A_28, %dma_wait3A_57] : memref<79x128xi32, #tpu.memory_space<hbm>> -> memref<1x128xi32, #tpu.memory_space<hbm>>
        %dma_wait3A_59 = tpu.memref_squeeze %dma_wait3A_58 : memref<1x128xi32, #tpu.memory_space<hbm>> -> memref<128xi32, #tpu.memory_space<hbm>>
        %dma_wait3A_60 = arith.constant 0 : i32
        %dma_wait3A_61 = arith.constant 0 : i32
        %dma_wait3A_62 = tpu.memref_slice %arg3[%add3A, %dma_wait3A_60, %dma_wait3A_61] : memref<32x79x128xi32, #tpu.memory_space<hbm>> -> memref<1x79x128xi32, #tpu.memory_space<hbm>>
        %dma_wait3A_63 = tpu.memref_squeeze %dma_wait3A_62 : memref<1x79x128xi32, #tpu.memory_space<hbm>> -> memref<79x128xi32, #tpu.memory_space<hbm>>
        %dma_wait3A_64 = arith.constant 0 : i32
        %dma_wait3A_65 = tpu.memref_slice %dma_wait3A_63[%add3A_28, %dma_wait3A_64] : memref<79x128xi32, #tpu.memory_space<hbm>> -> memref<1x128xi32, #tpu.memory_space<hbm>>
        %dma_wait3A_66 = tpu.memref_squeeze %dma_wait3A_65 : memref<1x128xi32, #tpu.memory_space<hbm>> -> memref<128xi32, #tpu.memory_space<hbm>>
        tpu.wait_dma2 semaphore(%run_scoped3A_38 : memref<!tpu.dma_semaphore, #tpu.memory_space<semaphore_mem>>) src(%dma_wait3A_66 : memref<128xi32, #tpu.memory_space<hbm>>) dst(%arg7 : memref<128xi32, #tpu.memory_space<vmem>>)
        tpu.yield
      }) : () -> ()
      %dma_start3A_29 = arith.constant 0 : i32
      %dma_start3A_30 = arith.constant 0 : i32
      %dma_start3A_31 = tpu.memref_slice %arg2[%dma_start3A_29, %dma_start3A_30] : memref<10112x128xf32, #tpu.memory_space<hbm>> -> memref<10112x128xf32, #tpu.memory_space<hbm>>
      tpu.enqueue_indirect_dma source(%dma_start3A_31 : memref<10112x128xf32, #tpu.memory_space<hbm>>) target(%arg10 : memref<128x128xf32, #tpu.memory_space<vmem>>) offsets(%arg7 : memref<128xi32, #tpu.memory_space<vmem>>) semaphore(%arg13 : memref<!tpu.dma_semaphore, #tpu.memory_space<semaphore_mem>>)
      %dma_wait3A_32 = arith.constant 0 : i32
      %dma_wait3A_33 = arith.constant 0 : i32
      %dma_wait3A_34 = tpu.memref_slice %arg2[%dma_wait3A_32, %dma_wait3A_33] : memref<10112x128xf32, #tpu.memory_space<hbm>> -> memref<10112x128xf32, #tpu.memory_space<hbm>>
      tpu.wait_indirect_dma semaphore(%arg14 : memref<!tpu.dma_semaphore, #tpu.memory_space<semaphore_mem>>) src(%dma_wait3A_34 : memref<10112x128xf32, #tpu.memory_space<hbm>>) dst(%arg11 : memref<128x128xf32, #tpu.memory_space<vmem>>)
      %add3A_35 = arith.constant 1 : i32
      %add3A_36 = arith.addi %mul3A_18, %add3A_35 : i32
      "tpu.region"() ({
        %run_scoped3A_38 = tpu.sem_alloc : memref<!tpu.dma_semaphore, #tpu.memory_space<semaphore_mem>>
        %dma_start3A_39 = arith.constant 0 : i32
        %dma_start3A_40 = tpu.memref_slice %arg9[%add3A_36, %dma_start3A_39] : memref<79x128xi32, #tpu.memory_space<vmem>> -> memref<1x128xi32, #tpu.memory_space<vmem>>
        %dma_start3A_41 = tpu.memref_squeeze %dma_start3A_40 : memref<1x128xi32, #tpu.memory_space<vmem>> -> memref<128xi32, #tpu.memory_space<vmem>>
        %dma_start3A_42 = arith.constant 0 : i32
        %dma_start3A_43 = arith.constant 0 : i32
        %dma_start3A_44 = tpu.memref_slice %arg12[%dma_start3A_42, %dma_start3A_43] : memref<10112x128xf32, #tpu.memory_space<vmem_shared>> -> memref<10112x128xf32, #tpu.memory_space<vmem_shared>>
        tpu.enqueue_indirect_dma source(%arg11 : memref<128x128xf32, #tpu.memory_space<vmem>>) target(%dma_start3A_44 : memref<10112x128xf32, #tpu.memory_space<vmem_shared>>) offsets(%dma_start3A_41 : memref<128xi32, #tpu.memory_space<vmem>>) semaphore(%run_scoped3A_38 : memref<!tpu.dma_semaphore, #tpu.memory_space<semaphore_mem>>) {add = true}
        %dma_wait3A_45 = arith.constant 0 : i32
        %dma_wait3A_46 = tpu.memref_slice %arg9[%add3A_36, %dma_wait3A_45] : memref<79x128xi32, #tpu.memory_space<vmem>> -> memref<1x128xi32, #tpu.memory_space<vmem>>
        %dma_wait3A_47 = tpu.memref_squeeze %dma_wait3A_46 : memref<1x128xi32, #tpu.memory_space<vmem>> -> memref<128xi32, #tpu.memory_space<vmem>>
        %dma_wait3A_48 = arith.constant 0 : i32
        %dma_wait3A_49 = arith.constant 0 : i32
        %dma_wait3A_50 = tpu.memref_slice %arg12[%dma_wait3A_48, %dma_wait3A_49] : memref<10112x128xf32, #tpu.memory_space<vmem_shared>> -> memref<10112x128xf32, #tpu.memory_space<vmem_shared>>
        tpu.wait_indirect_dma semaphore(%run_scoped3A_38 : memref<!tpu.dma_semaphore, #tpu.memory_space<semaphore_mem>>) src(%arg11 : memref<128x128xf32, #tpu.memory_space<vmem>>) dst(%dma_wait3A_50 : memref<10112x128xf32, #tpu.memory_space<vmem_shared>>)
        tpu.yield
      }) : () -> ()
      %scan3A_37 = arith.constant 0 : i32
      scf.yield %scan3A_37 : i32
    }
    %scan3A_10 = arith.constant 39 : i32
    %dma_wait3A = arith.constant 0 : i32
    %dma_wait3A_11 = arith.constant 0 : i32
    %dma_wait3A_12 = tpu.memref_slice %arg2[%dma_wait3A, %dma_wait3A_11] : memref<10112x128xf32, #tpu.memory_space<hbm>> -> memref<10112x128xf32, #tpu.memory_space<hbm>>
    tpu.wait_indirect_dma semaphore(%arg13 : memref<!tpu.dma_semaphore, #tpu.memory_space<semaphore_mem>>) src(%dma_wait3A_12 : memref<10112x128xf32, #tpu.memory_space<hbm>>) dst(%arg10 : memref<128x128xf32, #tpu.memory_space<vmem>>)
    %run_scoped3A_13 = arith.constant 78 : i32
    "tpu.region"() ({
      %run_scoped3A_15 = tpu.sem_alloc : memref<!tpu.dma_semaphore, #tpu.memory_space<semaphore_mem>>
      %dma_start3A_16 = arith.constant 0 : i32
      %dma_start3A_17 = tpu.memref_slice %arg9[%run_scoped3A_13, %dma_start3A_16] : memref<79x128xi32, #tpu.memory_space<vmem>> -> memref<1x128xi32, #tpu.memory_space<vmem>>
      %dma_start3A_18 = tpu.memref_squeeze %dma_start3A_17 : memref<1x128xi32, #tpu.memory_space<vmem>> -> memref<128xi32, #tpu.memory_space<vmem>>
      %dma_start3A_19 = arith.constant 0 : i32
      %dma_start3A_20 = arith.constant 0 : i32
      %dma_start3A_21 = tpu.memref_slice %arg12[%dma_start3A_19, %dma_start3A_20] : memref<10112x128xf32, #tpu.memory_space<vmem_shared>> -> memref<10112x128xf32, #tpu.memory_space<vmem_shared>>
      tpu.enqueue_indirect_dma source(%arg10 : memref<128x128xf32, #tpu.memory_space<vmem>>) target(%dma_start3A_21 : memref<10112x128xf32, #tpu.memory_space<vmem_shared>>) offsets(%dma_start3A_18 : memref<128xi32, #tpu.memory_space<vmem>>) semaphore(%run_scoped3A_15 : memref<!tpu.dma_semaphore, #tpu.memory_space<semaphore_mem>>) {add = true}
      %dma_wait3A_22 = arith.constant 0 : i32
      %dma_wait3A_23 = tpu.memref_slice %arg9[%run_scoped3A_13, %dma_wait3A_22] : memref<79x128xi32, #tpu.memory_space<vmem>> -> memref<1x128xi32, #tpu.memory_space<vmem>>
      %dma_wait3A_24 = tpu.memref_squeeze %dma_wait3A_23 : memref<1x128xi32, #tpu.memory_space<vmem>> -> memref<128xi32, #tpu.memory_space<vmem>>
      %dma_wait3A_25 = arith.constant 0 : i32
      %dma_wait3A_26 = arith.constant 0 : i32
      %dma_wait3A_27 = tpu.memref_slice %arg12[%dma_wait3A_25, %dma_wait3A_26] : memref<10112x128xf32, #tpu.memory_space<vmem_shared>> -> memref<10112x128xf32, #tpu.memory_space<vmem_shared>>
      tpu.wait_indirect_dma semaphore(%run_scoped3A_15 : memref<!tpu.dma_semaphore, #tpu.memory_space<semaphore_mem>>) src(%arg10 : memref<128x128xf32, #tpu.memory_space<vmem>>) dst(%dma_wait3A_27 : memref<10112x128xf32, #tpu.memory_space<vmem_shared>>)
      tpu.yield
    }) : () -> ()
    %barrier3A_14 = arith.constant 0 : index
    tpu.barrier barrier_id(%barrier3A_14)
    "tpu.region"() ({
      %run_scoped3A_15 = tpu.sem_alloc : memref<!tpu.dma_semaphore, #tpu.memory_space<semaphore_mem>>
      %dma_start3A_16 = arith.constant 0 : i32
      %dma_start3A_17 = arith.constant 0 : i32
      %dma_start3A_18 = tpu.memref_slice %arg6[%arg0, %dma_start3A_16, %dma_start3A_17] : memref<2x10112x128xf32, #tpu.memory_space<hbm>> -> memref<1x10112x128xf32, #tpu.memory_space<hbm>>
      %dma_start3A_19 = tpu.memref_squeeze %dma_start3A_18 : memref<1x10112x128xf32, #tpu.memory_space<hbm>> -> memref<10112x128xf32, #tpu.memory_space<hbm>>
      %dma_start3A_20 = arith.constant 0 : i32
      %dma_start3A_21 = tpu.memref_slice %dma_start3A_19[%mul3A_2, %dma_start3A_20] : memref<10112x128xf32, #tpu.memory_space<hbm>> -> memref<632x128xf32, #tpu.memory_space<hbm>>
      %dma_start3A_22 = arith.constant 0 : i32
      %dma_start3A_23 = tpu.memref_slice %arg12[%mul3A_2, %dma_start3A_22] : memref<10112x128xf32, #tpu.memory_space<vmem_shared>> -> memref<632x128xf32, #tpu.memory_space<vmem_shared>>
      tpu.enqueue_dma source(%dma_start3A_23 : memref<632x128xf32, #tpu.memory_space<vmem_shared>>) target(%dma_start3A_21 : memref<632x128xf32, #tpu.memory_space<hbm>>) target_semaphore(%run_scoped3A_15 : memref<!tpu.dma_semaphore, #tpu.memory_space<semaphore_mem>>)
      %dma_wait3A_24 = arith.constant 0 : i32
      %dma_wait3A_25 = arith.constant 0 : i32
      %dma_wait3A_26 = tpu.memref_slice %arg6[%arg0, %dma_wait3A_24, %dma_wait3A_25] : memref<2x10112x128xf32, #tpu.memory_space<hbm>> -> memref<1x10112x128xf32, #tpu.memory_space<hbm>>
      %dma_wait3A_27 = tpu.memref_squeeze %dma_wait3A_26 : memref<1x10112x128xf32, #tpu.memory_space<hbm>> -> memref<10112x128xf32, #tpu.memory_space<hbm>>
      %dma_wait3A_28 = arith.constant 0 : i32
      %dma_wait3A_29 = tpu.memref_slice %dma_wait3A_27[%mul3A_2, %dma_wait3A_28] : memref<10112x128xf32, #tpu.memory_space<hbm>> -> memref<632x128xf32, #tpu.memory_space<hbm>>
      %dma_wait3A_30 = arith.constant 0 : i32
      %dma_wait3A_31 = tpu.memref_slice %arg12[%mul3A_2, %dma_wait3A_30] : memref<10112x128xf32, #tpu.memory_space<vmem_shared>> -> memref<632x128xf32, #tpu.memory_space<vmem_shared>>
      tpu.wait_dma2 semaphore(%run_scoped3A_15 : memref<!tpu.dma_semaphore, #tpu.memory_space<semaphore_mem>>) src(%dma_wait3A_31 : memref<632x128xf32, #tpu.memory_space<vmem_shared>>) dst(%dma_wait3A_29 : memref<632x128xf32, #tpu.memory_space<hbm>>)
      tpu.yield
    }) : () -> ()
    return
  }
}

#map = affine_map<(d0, d1) -> (0, 0, 0)>
#map1 = affine_map<(d0, d1) -> (0, 0)>
module attributes {stable_mosaic.version = 14 : i64} {
  func.func @_deg_kernel(%arg0: i32, %arg1: i32, %arg2: memref<32x79x128xi32, #tpu.memory_space<hbm>>, %arg3: memref<10112x128xf32, #tpu.memory_space<hbm>>, %arg4: memref<10112x128xf32, #tpu.memory_space<hbm>>, %arg5: memref<2x10112x128xf32, #tpu.memory_space<hbm>>, %arg6: memref<79x128xi32, #tpu.memory_space<vmem>>, %arg7: memref<128x128xf32, #tpu.memory_space<vmem>>, %arg8: memref<10112x128xf32, #tpu.memory_space<vmem_shared>>, %arg9: memref<!tpu.dma_semaphore, #tpu.memory_space<semaphore_mem>>) attributes {dimension_semantics = [#tpu.dimension_semantics<core_parallel>, #tpu.dimension_semantics<subcore_parallel>], iteration_bounds = array<i64: 2, 16>, scalar_prefetch = 0 : i64, scratch_operands = 4 : i64, tpu.core_type = #tpu.core_type<sc_vector_subcore>, window_params = [{transform_indices = #map}, {transform_indices = #map1}, {transform_indices = #map1}, {transform_indices = #map}]} {
    %mul3A = arith.constant 16 : i32
    %mul3A_0 = arith.muli %arg0, %mul3A : i32
    %add3A = arith.addi %mul3A_0, %arg1 : i32
    %mul3A_1 = arith.constant 632 : i32
    %mul3A_2 = arith.muli %arg1, %mul3A_1 : i32
    %eq3A = arith.constant 0 : i32
    %eq3A_3 = arith.cmpi eq, %arg0, %eq3A : i32
    %convert_element_type3A = arith.extui %eq3A_3 : i1 to i32
    %cond3A = arith.constant 0 : i32
    %cond3A_4 = arith.cmpi ne, %convert_element_type3A, %cond3A : i32
    scf.if %cond3A_4 {
      "tpu.region"() ({
        %run_scoped3A = tpu.sem_alloc : memref<!tpu.dma_semaphore, #tpu.memory_space<semaphore_mem>>
        %dma_start3A = arith.constant 0 : i32
        %dma_start3A_16 = tpu.memref_slice %arg8[%mul3A_2, %dma_start3A] : memref<10112x128xf32, #tpu.memory_space<vmem_shared>> -> memref<632x128xf32, #tpu.memory_space<vmem_shared>>
        %dma_start3A_17 = arith.constant 0 : i32
        %dma_start3A_18 = tpu.memref_slice %arg3[%mul3A_2, %dma_start3A_17] : memref<10112x128xf32, #tpu.memory_space<hbm>> -> memref<632x128xf32, #tpu.memory_space<hbm>>
        tpu.enqueue_dma source(%dma_start3A_18 : memref<632x128xf32, #tpu.memory_space<hbm>>) target(%dma_start3A_16 : memref<632x128xf32, #tpu.memory_space<vmem_shared>>) target_semaphore(%run_scoped3A : memref<!tpu.dma_semaphore, #tpu.memory_space<semaphore_mem>>)
        %dma_wait3A = arith.constant 0 : i32
        %dma_wait3A_19 = tpu.memref_slice %arg8[%mul3A_2, %dma_wait3A] : memref<10112x128xf32, #tpu.memory_space<vmem_shared>> -> memref<632x128xf32, #tpu.memory_space<vmem_shared>>
        %dma_wait3A_20 = arith.constant 0 : i32
        %dma_wait3A_21 = tpu.memref_slice %arg3[%mul3A_2, %dma_wait3A_20] : memref<10112x128xf32, #tpu.memory_space<hbm>> -> memref<632x128xf32, #tpu.memory_space<hbm>>
        tpu.wait_dma2 semaphore(%run_scoped3A : memref<!tpu.dma_semaphore, #tpu.memory_space<semaphore_mem>>) src(%dma_wait3A_21 : memref<632x128xf32, #tpu.memory_space<hbm>>) dst(%dma_wait3A_19 : memref<632x128xf32, #tpu.memory_space<vmem_shared>>)
        tpu.yield
      }) : () -> ()
    } else {
    }
    %ne3A = arith.constant 0 : i32
    %ne3A_5 = arith.cmpi ne, %arg0, %ne3A : i32
    %convert_element_type3A_6 = arith.extui %ne3A_5 : i1 to i32
    %cond3A_7 = arith.constant 0 : i32
    %cond3A_8 = arith.cmpi ne, %convert_element_type3A_6, %cond3A_7 : i32
    scf.if %cond3A_8 {
      "tpu.region"() ({
        %run_scoped3A = tpu.sem_alloc : memref<!tpu.dma_semaphore, #tpu.memory_space<semaphore_mem>>
        %dma_start3A = arith.constant 0 : i32
        %dma_start3A_16 = tpu.memref_slice %arg8[%mul3A_2, %dma_start3A] : memref<10112x128xf32, #tpu.memory_space<vmem_shared>> -> memref<632x128xf32, #tpu.memory_space<vmem_shared>>
        %dma_start3A_17 = arith.constant 0 : i32
        %dma_start3A_18 = tpu.memref_slice %arg4[%mul3A_2, %dma_start3A_17] : memref<10112x128xf32, #tpu.memory_space<hbm>> -> memref<632x128xf32, #tpu.memory_space<hbm>>
        tpu.enqueue_dma source(%dma_start3A_18 : memref<632x128xf32, #tpu.memory_space<hbm>>) target(%dma_start3A_16 : memref<632x128xf32, #tpu.memory_space<vmem_shared>>) target_semaphore(%run_scoped3A : memref<!tpu.dma_semaphore, #tpu.memory_space<semaphore_mem>>)
        %dma_wait3A = arith.constant 0 : i32
        %dma_wait3A_19 = tpu.memref_slice %arg8[%mul3A_2, %dma_wait3A] : memref<10112x128xf32, #tpu.memory_space<vmem_shared>> -> memref<632x128xf32, #tpu.memory_space<vmem_shared>>
        %dma_wait3A_20 = arith.constant 0 : i32
        %dma_wait3A_21 = tpu.memref_slice %arg4[%mul3A_2, %dma_wait3A_20] : memref<10112x128xf32, #tpu.memory_space<hbm>> -> memref<632x128xf32, #tpu.memory_space<hbm>>
        tpu.wait_dma2 semaphore(%run_scoped3A : memref<!tpu.dma_semaphore, #tpu.memory_space<semaphore_mem>>) src(%dma_wait3A_21 : memref<632x128xf32, #tpu.memory_space<hbm>>) dst(%dma_wait3A_19 : memref<632x128xf32, #tpu.memory_space<vmem_shared>>)
        tpu.yield
      }) : () -> ()
    } else {
    }
    "tpu.region"() ({
      %run_scoped3A = tpu.sem_alloc : memref<!tpu.dma_semaphore, #tpu.memory_space<semaphore_mem>>
      %dma_start3A = arith.constant 0 : i32
      %dma_start3A_16 = arith.constant 0 : i32
      %dma_start3A_17 = tpu.memref_slice %arg3[%dma_start3A, %dma_start3A_16] : memref<10112x128xf32, #tpu.memory_space<hbm>> -> memref<128x128xf32, #tpu.memory_space<hbm>>
      %dma_start3A_18 = arith.constant 0 : i32
      %dma_start3A_19 = arith.constant 0 : i32
      %dma_start3A_20 = tpu.memref_slice %arg3[%dma_start3A_18, %dma_start3A_19] : memref<10112x128xf32, #tpu.memory_space<hbm>> -> memref<128x128xf32, #tpu.memory_space<hbm>>
      tpu.enqueue_dma source(%dma_start3A_20 : memref<128x128xf32, #tpu.memory_space<hbm>>) target(%arg7 : memref<128x128xf32, #tpu.memory_space<vmem>>) target_semaphore(%run_scoped3A : memref<!tpu.dma_semaphore, #tpu.memory_space<semaphore_mem>>)
      %dma_wait3A = arith.constant 0 : i32
      %dma_wait3A_21 = arith.constant 0 : i32
      %dma_wait3A_22 = tpu.memref_slice %arg3[%dma_wait3A, %dma_wait3A_21] : memref<10112x128xf32, #tpu.memory_space<hbm>> -> memref<128x128xf32, #tpu.memory_space<hbm>>
      %dma_wait3A_23 = arith.constant 0 : i32
      %dma_wait3A_24 = arith.constant 0 : i32
      %dma_wait3A_25 = tpu.memref_slice %arg3[%dma_wait3A_23, %dma_wait3A_24] : memref<10112x128xf32, #tpu.memory_space<hbm>> -> memref<128x128xf32, #tpu.memory_space<hbm>>
      tpu.wait_dma2 semaphore(%run_scoped3A : memref<!tpu.dma_semaphore, #tpu.memory_space<semaphore_mem>>) src(%dma_wait3A_25 : memref<128x128xf32, #tpu.memory_space<hbm>>) dst(%arg7 : memref<128x128xf32, #tpu.memory_space<vmem>>)
      tpu.yield
    }) : () -> ()
    "tpu.region"() ({
      %run_scoped3A = tpu.sem_alloc : memref<!tpu.dma_semaphore, #tpu.memory_space<semaphore_mem>>
      %dma_start3A = arith.constant 0 : i32
      %dma_start3A_16 = arith.constant 0 : i32
      %dma_start3A_17 = tpu.memref_slice %arg2[%add3A, %dma_start3A, %dma_start3A_16] : memref<32x79x128xi32, #tpu.memory_space<hbm>> -> memref<1x79x128xi32, #tpu.memory_space<hbm>>
      %dma_start3A_18 = tpu.memref_squeeze %dma_start3A_17 : memref<1x79x128xi32, #tpu.memory_space<hbm>> -> memref<79x128xi32, #tpu.memory_space<hbm>>
      %dma_start3A_19 = arith.constant 0 : i32
      %dma_start3A_20 = arith.constant 0 : i32
      %dma_start3A_21 = tpu.memref_slice %arg2[%add3A, %dma_start3A_19, %dma_start3A_20] : memref<32x79x128xi32, #tpu.memory_space<hbm>> -> memref<1x79x128xi32, #tpu.memory_space<hbm>>
      %dma_start3A_22 = tpu.memref_squeeze %dma_start3A_21 : memref<1x79x128xi32, #tpu.memory_space<hbm>> -> memref<79x128xi32, #tpu.memory_space<hbm>>
      tpu.enqueue_dma source(%dma_start3A_22 : memref<79x128xi32, #tpu.memory_space<hbm>>) target(%arg6 : memref<79x128xi32, #tpu.memory_space<vmem>>) target_semaphore(%run_scoped3A : memref<!tpu.dma_semaphore, #tpu.memory_space<semaphore_mem>>)
      %dma_wait3A = arith.constant 0 : i32
      %dma_wait3A_23 = arith.constant 0 : i32
      %dma_wait3A_24 = tpu.memref_slice %arg2[%add3A, %dma_wait3A, %dma_wait3A_23] : memref<32x79x128xi32, #tpu.memory_space<hbm>> -> memref<1x79x128xi32, #tpu.memory_space<hbm>>
      %dma_wait3A_25 = tpu.memref_squeeze %dma_wait3A_24 : memref<1x79x128xi32, #tpu.memory_space<hbm>> -> memref<79x128xi32, #tpu.memory_space<hbm>>
      %dma_wait3A_26 = arith.constant 0 : i32
      %dma_wait3A_27 = arith.constant 0 : i32
      %dma_wait3A_28 = tpu.memref_slice %arg2[%add3A, %dma_wait3A_26, %dma_wait3A_27] : memref<32x79x128xi32, #tpu.memory_space<hbm>> -> memref<1x79x128xi32, #tpu.memory_space<hbm>>
      %dma_wait3A_29 = tpu.memref_squeeze %dma_wait3A_28 : memref<1x79x128xi32, #tpu.memory_space<hbm>> -> memref<79x128xi32, #tpu.memory_space<hbm>>
      tpu.wait_dma2 semaphore(%run_scoped3A : memref<!tpu.dma_semaphore, #tpu.memory_space<semaphore_mem>>) src(%dma_wait3A_29 : memref<79x128xi32, #tpu.memory_space<hbm>>) dst(%arg6 : memref<79x128xi32, #tpu.memory_space<vmem>>)
      tpu.yield
    }) : () -> ()
    %barrier3A = arith.constant 0 : index
    tpu.barrier barrier_id(%barrier3A)
    %scan3A = arith.constant 0 : i32
    %scan3A_9 = arith.constant 0 : i32
    %scan3A_10 = arith.constant 79 : i32
    %scan3A_11 = arith.addi %scan3A_9, %scan3A_10 : i32
    %scan3A_12 = arith.constant 1 : i32
    %scan3A_13 = scf.for %scan3A_16 = %scan3A_9 to %scan3A_11 step %scan3A_12 iter_args(%scan3A_17 = %scan3A) -> (i32)  : i32 {
      "tpu.region"() ({
        %run_scoped3A = tpu.sem_alloc : memref<!tpu.dma_semaphore, #tpu.memory_space<semaphore_mem>>
        %dma_start3A = arith.constant 0 : i32
        %dma_start3A_19 = tpu.memref_slice %arg6[%scan3A_16, %dma_start3A] : memref<79x128xi32, #tpu.memory_space<vmem>> -> memref<1x128xi32, #tpu.memory_space<vmem>>
        %dma_start3A_20 = tpu.memref_squeeze %dma_start3A_19 : memref<1x128xi32, #tpu.memory_space<vmem>> -> memref<128xi32, #tpu.memory_space<vmem>>
        %dma_start3A_21 = arith.constant 0 : i32
        %dma_start3A_22 = arith.constant 0 : i32
        %dma_start3A_23 = tpu.memref_slice %arg8[%dma_start3A_21, %dma_start3A_22] : memref<10112x128xf32, #tpu.memory_space<vmem_shared>> -> memref<10112x128xf32, #tpu.memory_space<vmem_shared>>
        tpu.enqueue_indirect_dma source(%arg7 : memref<128x128xf32, #tpu.memory_space<vmem>>) target(%dma_start3A_23 : memref<10112x128xf32, #tpu.memory_space<vmem_shared>>) offsets(%dma_start3A_20 : memref<128xi32, #tpu.memory_space<vmem>>) semaphore(%run_scoped3A : memref<!tpu.dma_semaphore, #tpu.memory_space<semaphore_mem>>) {add = true}
        %dma_wait3A = arith.constant 0 : i32
        %dma_wait3A_24 = tpu.memref_slice %arg6[%scan3A_16, %dma_wait3A] : memref<79x128xi32, #tpu.memory_space<vmem>> -> memref<1x128xi32, #tpu.memory_space<vmem>>
        %dma_wait3A_25 = tpu.memref_squeeze %dma_wait3A_24 : memref<1x128xi32, #tpu.memory_space<vmem>> -> memref<128xi32, #tpu.memory_space<vmem>>
        %dma_wait3A_26 = arith.constant 0 : i32
        %dma_wait3A_27 = arith.constant 0 : i32
        %dma_wait3A_28 = tpu.memref_slice %arg8[%dma_wait3A_26, %dma_wait3A_27] : memref<10112x128xf32, #tpu.memory_space<vmem_shared>> -> memref<10112x128xf32, #tpu.memory_space<vmem_shared>>
        tpu.wait_indirect_dma semaphore(%run_scoped3A : memref<!tpu.dma_semaphore, #tpu.memory_space<semaphore_mem>>) src(%arg7 : memref<128x128xf32, #tpu.memory_space<vmem>>) dst(%dma_wait3A_28 : memref<10112x128xf32, #tpu.memory_space<vmem_shared>>)
        tpu.yield
      }) : () -> ()
      %scan3A_18 = arith.constant 0 : i32
      scf.yield %scan3A_18 : i32
    }
    %scan3A_14 = arith.constant 79 : i32
    %barrier3A_15 = arith.constant 0 : index
    tpu.barrier barrier_id(%barrier3A_15)
    "tpu.region"() ({
      %run_scoped3A = tpu.sem_alloc : memref<!tpu.dma_semaphore, #tpu.memory_space<semaphore_mem>>
      %dma_start3A = arith.constant 0 : i32
      %dma_start3A_16 = arith.constant 0 : i32
      %dma_start3A_17 = tpu.memref_slice %arg5[%arg0, %dma_start3A, %dma_start3A_16] : memref<2x10112x128xf32, #tpu.memory_space<hbm>> -> memref<1x10112x128xf32, #tpu.memory_space<hbm>>
      %dma_start3A_18 = tpu.memref_squeeze %dma_start3A_17 : memref<1x10112x128xf32, #tpu.memory_space<hbm>> -> memref<10112x128xf32, #tpu.memory_space<hbm>>
      %dma_start3A_19 = arith.constant 0 : i32
      %dma_start3A_20 = tpu.memref_slice %dma_start3A_18[%mul3A_2, %dma_start3A_19] : memref<10112x128xf32, #tpu.memory_space<hbm>> -> memref<632x128xf32, #tpu.memory_space<hbm>>
      %dma_start3A_21 = arith.constant 0 : i32
      %dma_start3A_22 = tpu.memref_slice %arg8[%mul3A_2, %dma_start3A_21] : memref<10112x128xf32, #tpu.memory_space<vmem_shared>> -> memref<632x128xf32, #tpu.memory_space<vmem_shared>>
      tpu.enqueue_dma source(%dma_start3A_22 : memref<632x128xf32, #tpu.memory_space<vmem_shared>>) target(%dma_start3A_20 : memref<632x128xf32, #tpu.memory_space<hbm>>) target_semaphore(%run_scoped3A : memref<!tpu.dma_semaphore, #tpu.memory_space<semaphore_mem>>)
      %dma_wait3A = arith.constant 0 : i32
      %dma_wait3A_23 = arith.constant 0 : i32
      %dma_wait3A_24 = tpu.memref_slice %arg5[%arg0, %dma_wait3A, %dma_wait3A_23] : memref<2x10112x128xf32, #tpu.memory_space<hbm>> -> memref<1x10112x128xf32, #tpu.memory_space<hbm>>
      %dma_wait3A_25 = tpu.memref_squeeze %dma_wait3A_24 : memref<1x10112x128xf32, #tpu.memory_space<hbm>> -> memref<10112x128xf32, #tpu.memory_space<hbm>>
      %dma_wait3A_26 = arith.constant 0 : i32
      %dma_wait3A_27 = tpu.memref_slice %dma_wait3A_25[%mul3A_2, %dma_wait3A_26] : memref<10112x128xf32, #tpu.memory_space<hbm>> -> memref<632x128xf32, #tpu.memory_space<hbm>>
      %dma_wait3A_28 = arith.constant 0 : i32
      %dma_wait3A_29 = tpu.memref_slice %arg8[%mul3A_2, %dma_wait3A_28] : memref<10112x128xf32, #tpu.memory_space<vmem_shared>> -> memref<632x128xf32, #tpu.memory_space<vmem_shared>>
      tpu.wait_dma2 semaphore(%run_scoped3A : memref<!tpu.dma_semaphore, #tpu.memory_space<semaphore_mem>>) src(%dma_wait3A_29 : memref<632x128xf32, #tpu.memory_space<vmem_shared>>) dst(%dma_wait3A_27 : memref<632x128xf32, #tpu.memory_space<hbm>>)
      tpu.yield
    }) : () -> ()
    return
  }
}

#map = affine_map<(d0, d1) -> (0, 0)>
#map1 = affine_map<(d0, d1) -> (0, 0, 0)>
module attributes {stable_mosaic.version = 14 : i64} {
  func.func @_msg_kernel(%arg0: i32, %arg1: i32, %arg2: memref<10112x128xf32, #tpu.memory_space<hbm>>, %arg3: memref<32x79x128xi32, #tpu.memory_space<hbm>>, %arg4: memref<32x79x128xi32, #tpu.memory_space<hbm>>, %arg5: memref<10112x128xf32, #tpu.memory_space<hbm>>, %arg6: memref<2x10112x128xf32, #tpu.memory_space<hbm>>, %arg7: memref<128xi32, #tpu.memory_space<vmem>>, %arg8: memref<128xi32, #tpu.memory_space<vmem>>, %arg9: memref<79x128xi32, #tpu.memory_space<vmem>>, %arg10: memref<128x128xf32, #tpu.memory_space<vmem>>, %arg11: memref<128x128xf32, #tpu.memory_space<vmem>>, %arg12: memref<10112x128xf32, #tpu.memory_space<vmem_shared>>, %arg13: memref<!tpu.dma_semaphore, #tpu.memory_space<semaphore_mem>>, %arg14: memref<!tpu.dma_semaphore, #tpu.memory_space<semaphore_mem>>) attributes {dimension_semantics = [#tpu.dimension_semantics<core_parallel>, #tpu.dimension_semantics<subcore_parallel>], iteration_bounds = array<i64: 2, 16>, scalar_prefetch = 0 : i64, scratch_operands = 8 : i64, tpu.core_type = #tpu.core_type<sc_vector_subcore>, window_params = [{transform_indices = #map}, {transform_indices = #map1}, {transform_indices = #map1}, {transform_indices = #map}, {transform_indices = #map1}]} {
    %mul3A = arith.constant 16 : i32
    %mul3A_0 = arith.muli %arg0, %mul3A : i32
    %add3A = arith.addi %mul3A_0, %arg1 : i32
    %mul3A_1 = arith.constant 632 : i32
    %mul3A_2 = arith.muli %arg1, %mul3A_1 : i32
    "tpu.region"() ({
      %run_scoped3A_15 = tpu.sem_alloc : memref<!tpu.dma_semaphore, #tpu.memory_space<semaphore_mem>>
      %dma_start3A_16 = arith.constant 0 : i32
      %dma_start3A_17 = tpu.memref_slice %arg12[%mul3A_2, %dma_start3A_16] : memref<10112x128xf32, #tpu.memory_space<vmem_shared>> -> memref<632x128xf32, #tpu.memory_space<vmem_shared>>
      %dma_start3A_18 = arith.constant 0 : i32
      %dma_start3A_19 = tpu.memref_slice %arg5[%mul3A_2, %dma_start3A_18] : memref<10112x128xf32, #tpu.memory_space<hbm>> -> memref<632x128xf32, #tpu.memory_space<hbm>>
      tpu.enqueue_dma source(%dma_start3A_19 : memref<632x128xf32, #tpu.memory_space<hbm>>) target(%dma_start3A_17 : memref<632x128xf32, #tpu.memory_space<vmem_shared>>) target_semaphore(%run_scoped3A_15 : memref<!tpu.dma_semaphore, #tpu.memory_space<semaphore_mem>>)
      %dma_wait3A_20 = arith.constant 0 : i32
      %dma_wait3A_21 = tpu.memref_slice %arg12[%mul3A_2, %dma_wait3A_20] : memref<10112x128xf32, #tpu.memory_space<vmem_shared>> -> memref<632x128xf32, #tpu.memory_space<vmem_shared>>
      %dma_wait3A_22 = arith.constant 0 : i32
      %dma_wait3A_23 = tpu.memref_slice %arg5[%mul3A_2, %dma_wait3A_22] : memref<10112x128xf32, #tpu.memory_space<hbm>> -> memref<632x128xf32, #tpu.memory_space<hbm>>
      tpu.wait_dma2 semaphore(%run_scoped3A_15 : memref<!tpu.dma_semaphore, #tpu.memory_space<semaphore_mem>>) src(%dma_wait3A_23 : memref<632x128xf32, #tpu.memory_space<hbm>>) dst(%dma_wait3A_21 : memref<632x128xf32, #tpu.memory_space<vmem_shared>>)
      tpu.yield
    }) : () -> ()
    "tpu.region"() ({
      %run_scoped3A_15 = tpu.sem_alloc : memref<!tpu.dma_semaphore, #tpu.memory_space<semaphore_mem>>
      %dma_start3A_16 = arith.constant 0 : i32
      %dma_start3A_17 = arith.constant 0 : i32
      %dma_start3A_18 = tpu.memref_slice %arg4[%add3A, %dma_start3A_16, %dma_start3A_17] : memref<32x79x128xi32, #tpu.memory_space<hbm>> -> memref<1x79x128xi32, #tpu.memory_space<hbm>>
      %dma_start3A_19 = tpu.memref_squeeze %dma_start3A_18 : memref<1x79x128xi32, #tpu.memory_space<hbm>> -> memref<79x128xi32, #tpu.memory_space<hbm>>
      %dma_start3A_20 = arith.constant 0 : i32
      %dma_start3A_21 = arith.constant 0 : i32
      %dma_start3A_22 = tpu.memref_slice %arg4[%add3A, %dma_start3A_20, %dma_start3A_21] : memref<32x79x128xi32, #tpu.memory_space<hbm>> -> memref<1x79x128xi32, #tpu.memory_space<hbm>>
      %dma_start3A_23 = tpu.memref_squeeze %dma_start3A_22 : memref<1x79x128xi32, #tpu.memory_space<hbm>> -> memref<79x128xi32, #tpu.memory_space<hbm>>
      tpu.enqueue_dma source(%dma_start3A_23 : memref<79x128xi32, #tpu.memory_space<hbm>>) target(%arg9 : memref<79x128xi32, #tpu.memory_space<vmem>>) target_semaphore(%run_scoped3A_15 : memref<!tpu.dma_semaphore, #tpu.memory_space<semaphore_mem>>)
      %dma_wait3A_24 = arith.constant 0 : i32
      %dma_wait3A_25 = arith.constant 0 : i32
      %dma_wait3A_26 = tpu.memref_slice %arg4[%add3A, %dma_wait3A_24, %dma_wait3A_25] : memref<32x79x128xi32, #tpu.memory_space<hbm>> -> memref<1x79x128xi32, #tpu.memory_space<hbm>>
      %dma_wait3A_27 = tpu.memref_squeeze %dma_wait3A_26 : memref<1x79x128xi32, #tpu.memory_space<hbm>> -> memref<79x128xi32, #tpu.memory_space<hbm>>
      %dma_wait3A_28 = arith.constant 0 : i32
      %dma_wait3A_29 = arith.constant 0 : i32
      %dma_wait3A_30 = tpu.memref_slice %arg4[%add3A, %dma_wait3A_28, %dma_wait3A_29] : memref<32x79x128xi32, #tpu.memory_space<hbm>> -> memref<1x79x128xi32, #tpu.memory_space<hbm>>
      %dma_wait3A_31 = tpu.memref_squeeze %dma_wait3A_30 : memref<1x79x128xi32, #tpu.memory_space<hbm>> -> memref<79x128xi32, #tpu.memory_space<hbm>>
      tpu.wait_dma2 semaphore(%run_scoped3A_15 : memref<!tpu.dma_semaphore, #tpu.memory_space<semaphore_mem>>) src(%dma_wait3A_31 : memref<79x128xi32, #tpu.memory_space<hbm>>) dst(%arg9 : memref<79x128xi32, #tpu.memory_space<vmem>>)
      tpu.yield
    }) : () -> ()
    %barrier3A = arith.constant 0 : index
    tpu.barrier barrier_id(%barrier3A)
    %run_scoped3A = arith.constant 0 : i32
    "tpu.region"() ({
      %run_scoped3A_15 = tpu.sem_alloc : memref<!tpu.dma_semaphore, #tpu.memory_space<semaphore_mem>>
      %dma_start3A_16 = arith.constant 0 : i32
      %dma_start3A_17 = arith.constant 0 : i32
      %dma_start3A_18 = tpu.memref_slice %arg3[%add3A, %dma_start3A_16, %dma_start3A_17] : memref<32x79x128xi32, #tpu.memory_space<hbm>> -> memref<1x79x128xi32, #tpu.memory_space<hbm>>
      %dma_start3A_19 = tpu.memref_squeeze %dma_start3A_18 : memref<1x79x128xi32, #tpu.memory_space<hbm>> -> memref<79x128xi32, #tpu.memory_space<hbm>>
      %dma_start3A_20 = arith.constant 0 : i32
      %dma_start3A_21 = tpu.memref_slice %dma_start3A_19[%run_scoped3A, %dma_start3A_20] : memref<79x128xi32, #tpu.memory_space<hbm>> -> memref<1x128xi32, #tpu.memory_space<hbm>>
      %dma_start3A_22 = tpu.memref_squeeze %dma_start3A_21 : memref<1x128xi32, #tpu.memory_space<hbm>> -> memref<128xi32, #tpu.memory_space<hbm>>
      %dma_start3A_23 = arith.constant 0 : i32
      %dma_start3A_24 = arith.constant 0 : i32
      %dma_start3A_25 = tpu.memref_slice %arg3[%add3A, %dma_start3A_23, %dma_start3A_24] : memref<32x79x128xi32, #tpu.memory_space<hbm>> -> memref<1x79x128xi32, #tpu.memory_space<hbm>>
      %dma_start3A_26 = tpu.memref_squeeze %dma_start3A_25 : memref<1x79x128xi32, #tpu.memory_space<hbm>> -> memref<79x128xi32, #tpu.memory_space<hbm>>
      %dma_start3A_27 = arith.constant 0 : i32
      %dma_start3A_28 = tpu.memref_slice %dma_start3A_26[%run_scoped3A, %dma_start3A_27] : memref<79x128xi32, #tpu.memory_space<hbm>> -> memref<1x128xi32, #tpu.memory_space<hbm>>
      %dma_start3A_29 = tpu.memref_squeeze %dma_start3A_28 : memref<1x128xi32, #tpu.memory_space<hbm>> -> memref<128xi32, #tpu.memory_space<hbm>>
      tpu.enqueue_dma source(%dma_start3A_29 : memref<128xi32, #tpu.memory_space<hbm>>) target(%arg7 : memref<128xi32, #tpu.memory_space<vmem>>) target_semaphore(%run_scoped3A_15 : memref<!tpu.dma_semaphore, #tpu.memory_space<semaphore_mem>>)
      %dma_wait3A_30 = arith.constant 0 : i32
      %dma_wait3A_31 = arith.constant 0 : i32
      %dma_wait3A_32 = tpu.memref_slice %arg3[%add3A, %dma_wait3A_30, %dma_wait3A_31] : memref<32x79x128xi32, #tpu.memory_space<hbm>> -> memref<1x79x128xi32, #tpu.memory_space<hbm>>
      %dma_wait3A_33 = tpu.memref_squeeze %dma_wait3A_32 : memref<1x79x128xi32, #tpu.memory_space<hbm>> -> memref<79x128xi32, #tpu.memory_space<hbm>>
      %dma_wait3A_34 = arith.constant 0 : i32
      %dma_wait3A_35 = tpu.memref_slice %dma_wait3A_33[%run_scoped3A, %dma_wait3A_34] : memref<79x128xi32, #tpu.memory_space<hbm>> -> memref<1x128xi32, #tpu.memory_space<hbm>>
      %dma_wait3A_36 = tpu.memref_squeeze %dma_wait3A_35 : memref<1x128xi32, #tpu.memory_space<hbm>> -> memref<128xi32, #tpu.memory_space<hbm>>
      %dma_wait3A_37 = arith.constant 0 : i32
      %dma_wait3A_38 = arith.constant 0 : i32
      %dma_wait3A_39 = tpu.memref_slice %arg3[%add3A, %dma_wait3A_37, %dma_wait3A_38] : memref<32x79x128xi32, #tpu.memory_space<hbm>> -> memref<1x79x128xi32, #tpu.memory_space<hbm>>
      %dma_wait3A_40 = tpu.memref_squeeze %dma_wait3A_39 : memref<1x79x128xi32, #tpu.memory_space<hbm>> -> memref<79x128xi32, #tpu.memory_space<hbm>>
      %dma_wait3A_41 = arith.constant 0 : i32
      %dma_wait3A_42 = tpu.memref_slice %dma_wait3A_40[%run_scoped3A, %dma_wait3A_41] : memref<79x128xi32, #tpu.memory_space<hbm>> -> memref<1x128xi32, #tpu.memory_space<hbm>>
      %dma_wait3A_43 = tpu.memref_squeeze %dma_wait3A_42 : memref<1x128xi32, #tpu.memory_space<hbm>> -> memref<128xi32, #tpu.memory_space<hbm>>
      tpu.wait_dma2 semaphore(%run_scoped3A_15 : memref<!tpu.dma_semaphore, #tpu.memory_space<semaphore_mem>>) src(%dma_wait3A_43 : memref<128xi32, #tpu.memory_space<hbm>>) dst(%arg7 : memref<128xi32, #tpu.memory_space<vmem>>)
      tpu.yield
    }) : () -> ()
    %dma_start3A = arith.constant 0 : i32
    %dma_start3A_3 = arith.constant 0 : i32
    %dma_start3A_4 = tpu.memref_slice %arg2[%dma_start3A, %dma_start3A_3] : memref<10112x128xf32, #tpu.memory_space<hbm>> -> memref<10112x128xf32, #tpu.memory_space<hbm>>
    tpu.enqueue_indirect_dma source(%dma_start3A_4 : memref<10112x128xf32, #tpu.memory_space<hbm>>) target(%arg10 : memref<128x128xf32, #tpu.memory_space<vmem>>) offsets(%arg7 : memref<128xi32, #tpu.memory_space<vmem>>) semaphore(%arg13 : memref<!tpu.dma_semaphore, #tpu.memory_space<semaphore_mem>>)
    %scan3A = arith.constant 0 : i32
    %scan3A_5 = arith.constant 0 : i32
    %scan3A_6 = arith.constant 39 : i32
    %scan3A_7 = arith.addi %scan3A_5, %scan3A_6 : i32
    %scan3A_8 = arith.constant 1 : i32
    %scan3A_9 = scf.for %scan3A_15 = %scan3A_5 to %scan3A_7 step %scan3A_8 iter_args(%scan3A_16 = %scan3A) -> (i32)  : i32 {
      %mul3A_17 = arith.constant 2 : i32
      %mul3A_18 = arith.muli %mul3A_17, %scan3A_15 : i32
      %add3A_19 = arith.constant 1 : i32
      %add3A_20 = arith.addi %mul3A_18, %add3A_19 : i32
      "tpu.region"() ({
        %run_scoped3A_38 = tpu.sem_alloc : memref<!tpu.dma_semaphore, #tpu.memory_space<semaphore_mem>>
        %dma_start3A_39 = arith.constant 0 : i32
        %dma_start3A_40 = arith.constant 0 : i32
        %dma_start3A_41 = tpu.memref_slice %arg3[%add3A, %dma_start3A_39, %dma_start3A_40] : memref<32x79x128xi32, #tpu.memory_space<hbm>> -> memref<1x79x128xi32, #tpu.memory_space<hbm>>
        %dma_start3A_42 = tpu.memref_squeeze %dma_start3A_41 : memref<1x79x128xi32, #tpu.memory_space<hbm>> -> memref<79x128xi32, #tpu.memory_space<hbm>>
        %dma_start3A_43 = arith.constant 0 : i32
        %dma_start3A_44 = tpu.memref_slice %dma_start3A_42[%add3A_20, %dma_start3A_43] : memref<79x128xi32, #tpu.memory_space<hbm>> -> memref<1x128xi32, #tpu.memory_space<hbm>>
        %dma_start3A_45 = tpu.memref_squeeze %dma_start3A_44 : memref<1x128xi32, #tpu.memory_space<hbm>> -> memref<128xi32, #tpu.memory_space<hbm>>
        %dma_start3A_46 = arith.constant 0 : i32
        %dma_start3A_47 = arith.constant 0 : i32
        %dma_start3A_48 = tpu.memref_slice %arg3[%add3A, %dma_start3A_46, %dma_start3A_47] : memref<32x79x128xi32, #tpu.memory_space<hbm>> -> memref<1x79x128xi32, #tpu.memory_space<hbm>>
        %dma_start3A_49 = tpu.memref_squeeze %dma_start3A_48 : memref<1x79x128xi32, #tpu.memory_space<hbm>> -> memref<79x128xi32, #tpu.memory_space<hbm>>
        %dma_start3A_50 = arith.constant 0 : i32
        %dma_start3A_51 = tpu.memref_slice %dma_start3A_49[%add3A_20, %dma_start3A_50] : memref<79x128xi32, #tpu.memory_space<hbm>> -> memref<1x128xi32, #tpu.memory_space<hbm>>
        %dma_start3A_52 = tpu.memref_squeeze %dma_start3A_51 : memref<1x128xi32, #tpu.memory_space<hbm>> -> memref<128xi32, #tpu.memory_space<hbm>>
        tpu.enqueue_dma source(%dma_start3A_52 : memref<128xi32, #tpu.memory_space<hbm>>) target(%arg8 : memref<128xi32, #tpu.memory_space<vmem>>) target_semaphore(%run_scoped3A_38 : memref<!tpu.dma_semaphore, #tpu.memory_space<semaphore_mem>>)
        %dma_wait3A_53 = arith.constant 0 : i32
        %dma_wait3A_54 = arith.constant 0 : i32
        %dma_wait3A_55 = tpu.memref_slice %arg3[%add3A, %dma_wait3A_53, %dma_wait3A_54] : memref<32x79x128xi32, #tpu.memory_space<hbm>> -> memref<1x79x128xi32, #tpu.memory_space<hbm>>
        %dma_wait3A_56 = tpu.memref_squeeze %dma_wait3A_55 : memref<1x79x128xi32, #tpu.memory_space<hbm>> -> memref<79x128xi32, #tpu.memory_space<hbm>>
        %dma_wait3A_57 = arith.constant 0 : i32
        %dma_wait3A_58 = tpu.memref_slice %dma_wait3A_56[%add3A_20, %dma_wait3A_57] : memref<79x128xi32, #tpu.memory_space<hbm>> -> memref<1x128xi32, #tpu.memory_space<hbm>>
        %dma_wait3A_59 = tpu.memref_squeeze %dma_wait3A_58 : memref<1x128xi32, #tpu.memory_space<hbm>> -> memref<128xi32, #tpu.memory_space<hbm>>
        %dma_wait3A_60 = arith.constant 0 : i32
        %dma_wait3A_61 = arith.constant 0 : i32
        %dma_wait3A_62 = tpu.memref_slice %arg3[%add3A, %dma_wait3A_60, %dma_wait3A_61] : memref<32x79x128xi32, #tpu.memory_space<hbm>> -> memref<1x79x128xi32, #tpu.memory_space<hbm>>
        %dma_wait3A_63 = tpu.memref_squeeze %dma_wait3A_62 : memref<1x79x128xi32, #tpu.memory_space<hbm>> -> memref<79x128xi32, #tpu.memory_space<hbm>>
        %dma_wait3A_64 = arith.constant 0 : i32
        %dma_wait3A_65 = tpu.memref_slice %dma_wait3A_63[%add3A_20, %dma_wait3A_64] : memref<79x128xi32, #tpu.memory_space<hbm>> -> memref<1x128xi32, #tpu.memory_space<hbm>>
        %dma_wait3A_66 = tpu.memref_squeeze %dma_wait3A_65 : memref<1x128xi32, #tpu.memory_space<hbm>> -> memref<128xi32, #tpu.memory_space<hbm>>
        tpu.wait_dma2 semaphore(%run_scoped3A_38 : memref<!tpu.dma_semaphore, #tpu.memory_space<semaphore_mem>>) src(%dma_wait3A_66 : memref<128xi32, #tpu.memory_space<hbm>>) dst(%arg8 : memref<128xi32, #tpu.memory_space<vmem>>)
        tpu.yield
      }) : () -> ()
      %dma_start3A_21 = arith.constant 0 : i32
      %dma_start3A_22 = arith.constant 0 : i32
      %dma_start3A_23 = tpu.memref_slice %arg2[%dma_start3A_21, %dma_start3A_22] : memref<10112x128xf32, #tpu.memory_space<hbm>> -> memref<10112x128xf32, #tpu.memory_space<hbm>>
      tpu.enqueue_indirect_dma source(%dma_start3A_23 : memref<10112x128xf32, #tpu.memory_space<hbm>>) target(%arg11 : memref<128x128xf32, #tpu.memory_space<vmem>>) offsets(%arg8 : memref<128xi32, #tpu.memory_space<vmem>>) semaphore(%arg14 : memref<!tpu.dma_semaphore, #tpu.memory_space<semaphore_mem>>)
      %dma_wait3A_24 = arith.constant 0 : i32
      %dma_wait3A_25 = arith.constant 0 : i32
      %dma_wait3A_26 = tpu.memref_slice %arg2[%dma_wait3A_24, %dma_wait3A_25] : memref<10112x128xf32, #tpu.memory_space<hbm>> -> memref<10112x128xf32, #tpu.memory_space<hbm>>
      tpu.wait_indirect_dma semaphore(%arg13 : memref<!tpu.dma_semaphore, #tpu.memory_space<semaphore_mem>>) src(%dma_wait3A_26 : memref<10112x128xf32, #tpu.memory_space<hbm>>) dst(%arg10 : memref<128x128xf32, #tpu.memory_space<vmem>>)
      "tpu.region"() ({
        %run_scoped3A_38 = tpu.sem_alloc : memref<!tpu.dma_semaphore, #tpu.memory_space<semaphore_mem>>
        %dma_start3A_39 = arith.constant 0 : i32
        %dma_start3A_40 = tpu.memref_slice %arg9[%mul3A_18, %dma_start3A_39] : memref<79x128xi32, #tpu.memory_space<vmem>> -> memref<1x128xi32, #tpu.memory_space<vmem>>
        %dma_start3A_41 = tpu.memref_squeeze %dma_start3A_40 : memref<1x128xi32, #tpu.memory_space<vmem>> -> memref<128xi32, #tpu.memory_space<vmem>>
        %dma_start3A_42 = arith.constant 0 : i32
        %dma_start3A_43 = arith.constant 0 : i32
        %dma_start3A_44 = tpu.memref_slice %arg12[%dma_start3A_42, %dma_start3A_43] : memref<10112x128xf32, #tpu.memory_space<vmem_shared>> -> memref<10112x128xf32, #tpu.memory_space<vmem_shared>>
        tpu.enqueue_indirect_dma source(%arg10 : memref<128x128xf32, #tpu.memory_space<vmem>>) target(%dma_start3A_44 : memref<10112x128xf32, #tpu.memory_space<vmem_shared>>) offsets(%dma_start3A_41 : memref<128xi32, #tpu.memory_space<vmem>>) semaphore(%run_scoped3A_38 : memref<!tpu.dma_semaphore, #tpu.memory_space<semaphore_mem>>) {add = true}
        %dma_wait3A_45 = arith.constant 0 : i32
        %dma_wait3A_46 = tpu.memref_slice %arg9[%mul3A_18, %dma_wait3A_45] : memref<79x128xi32, #tpu.memory_space<vmem>> -> memref<1x128xi32, #tpu.memory_space<vmem>>
        %dma_wait3A_47 = tpu.memref_squeeze %dma_wait3A_46 : memref<1x128xi32, #tpu.memory_space<vmem>> -> memref<128xi32, #tpu.memory_space<vmem>>
        %dma_wait3A_48 = arith.constant 0 : i32
        %dma_wait3A_49 = arith.constant 0 : i32
        %dma_wait3A_50 = tpu.memref_slice %arg12[%dma_wait3A_48, %dma_wait3A_49] : memref<10112x128xf32, #tpu.memory_space<vmem_shared>> -> memref<10112x128xf32, #tpu.memory_space<vmem_shared>>
        tpu.wait_indirect_dma semaphore(%run_scoped3A_38 : memref<!tpu.dma_semaphore, #tpu.memory_space<semaphore_mem>>) src(%arg10 : memref<128x128xf32, #tpu.memory_space<vmem>>) dst(%dma_wait3A_50 : memref<10112x128xf32, #tpu.memory_space<vmem_shared>>)
        tpu.yield
      }) : () -> ()
      %add3A_27 = arith.constant 2 : i32
      %add3A_28 = arith.addi %mul3A_18, %add3A_27 : i32
      "tpu.region"() ({
        %run_scoped3A_38 = tpu.sem_alloc : memref<!tpu.dma_semaphore, #tpu.memory_space<semaphore_mem>>
        %dma_start3A_39 = arith.constant 0 : i32
        %dma_start3A_40 = arith.constant 0 : i32
        %dma_start3A_41 = tpu.memref_slice %arg3[%add3A, %dma_start3A_39, %dma_start3A_40] : memref<32x79x128xi32, #tpu.memory_space<hbm>> -> memref<1x79x128xi32, #tpu.memory_space<hbm>>
        %dma_start3A_42 = tpu.memref_squeeze %dma_start3A_41 : memref<1x79x128xi32, #tpu.memory_space<hbm>> -> memref<79x128xi32, #tpu.memory_space<hbm>>
        %dma_start3A_43 = arith.constant 0 : i32
        %dma_start3A_44 = tpu.memref_slice %dma_start3A_42[%add3A_28, %dma_start3A_43] : memref<79x128xi32, #tpu.memory_space<hbm>> -> memref<1x128xi32, #tpu.memory_space<hbm>>
        %dma_start3A_45 = tpu.memref_squeeze %dma_start3A_44 : memref<1x128xi32, #tpu.memory_space<hbm>> -> memref<128xi32, #tpu.memory_space<hbm>>
        %dma_start3A_46 = arith.constant 0 : i32
        %dma_start3A_47 = arith.constant 0 : i32
        %dma_start3A_48 = tpu.memref_slice %arg3[%add3A, %dma_start3A_46, %dma_start3A_47] : memref<32x79x128xi32, #tpu.memory_space<hbm>> -> memref<1x79x128xi32, #tpu.memory_space<hbm>>
        %dma_start3A_49 = tpu.memref_squeeze %dma_start3A_48 : memref<1x79x128xi32, #tpu.memory_space<hbm>> -> memref<79x128xi32, #tpu.memory_space<hbm>>
        %dma_start3A_50 = arith.constant 0 : i32
        %dma_start3A_51 = tpu.memref_slice %dma_start3A_49[%add3A_28, %dma_start3A_50] : memref<79x128xi32, #tpu.memory_space<hbm>> -> memref<1x128xi32, #tpu.memory_space<hbm>>
        %dma_start3A_52 = tpu.memref_squeeze %dma_start3A_51 : memref<1x128xi32, #tpu.memory_space<hbm>> -> memref<128xi32, #tpu.memory_space<hbm>>
        tpu.enqueue_dma source(%dma_start3A_52 : memref<128xi32, #tpu.memory_space<hbm>>) target(%arg7 : memref<128xi32, #tpu.memory_space<vmem>>) target_semaphore(%run_scoped3A_38 : memref<!tpu.dma_semaphore, #tpu.memory_space<semaphore_mem>>)
        %dma_wait3A_53 = arith.constant 0 : i32
        %dma_wait3A_54 = arith.constant 0 : i32
        %dma_wait3A_55 = tpu.memref_slice %arg3[%add3A, %dma_wait3A_53, %dma_wait3A_54] : memref<32x79x128xi32, #tpu.memory_space<hbm>> -> memref<1x79x128xi32, #tpu.memory_space<hbm>>
        %dma_wait3A_56 = tpu.memref_squeeze %dma_wait3A_55 : memref<1x79x128xi32, #tpu.memory_space<hbm>> -> memref<79x128xi32, #tpu.memory_space<hbm>>
        %dma_wait3A_57 = arith.constant 0 : i32
        %dma_wait3A_58 = tpu.memref_slice %dma_wait3A_56[%add3A_28, %dma_wait3A_57] : memref<79x128xi32, #tpu.memory_space<hbm>> -> memref<1x128xi32, #tpu.memory_space<hbm>>
        %dma_wait3A_59 = tpu.memref_squeeze %dma_wait3A_58 : memref<1x128xi32, #tpu.memory_space<hbm>> -> memref<128xi32, #tpu.memory_space<hbm>>
        %dma_wait3A_60 = arith.constant 0 : i32
        %dma_wait3A_61 = arith.constant 0 : i32
        %dma_wait3A_62 = tpu.memref_slice %arg3[%add3A, %dma_wait3A_60, %dma_wait3A_61] : memref<32x79x128xi32, #tpu.memory_space<hbm>> -> memref<1x79x128xi32, #tpu.memory_space<hbm>>
        %dma_wait3A_63 = tpu.memref_squeeze %dma_wait3A_62 : memref<1x79x128xi32, #tpu.memory_space<hbm>> -> memref<79x128xi32, #tpu.memory_space<hbm>>
        %dma_wait3A_64 = arith.constant 0 : i32
        %dma_wait3A_65 = tpu.memref_slice %dma_wait3A_63[%add3A_28, %dma_wait3A_64] : memref<79x128xi32, #tpu.memory_space<hbm>> -> memref<1x128xi32, #tpu.memory_space<hbm>>
        %dma_wait3A_66 = tpu.memref_squeeze %dma_wait3A_65 : memref<1x128xi32, #tpu.memory_space<hbm>> -> memref<128xi32, #tpu.memory_space<hbm>>
        tpu.wait_dma2 semaphore(%run_scoped3A_38 : memref<!tpu.dma_semaphore, #tpu.memory_space<semaphore_mem>>) src(%dma_wait3A_66 : memref<128xi32, #tpu.memory_space<hbm>>) dst(%arg7 : memref<128xi32, #tpu.memory_space<vmem>>)
        tpu.yield
      }) : () -> ()
      %dma_start3A_29 = arith.constant 0 : i32
      %dma_start3A_30 = arith.constant 0 : i32
      %dma_start3A_31 = tpu.memref_slice %arg2[%dma_start3A_29, %dma_start3A_30] : memref<10112x128xf32, #tpu.memory_space<hbm>> -> memref<10112x128xf32, #tpu.memory_space<hbm>>
      tpu.enqueue_indirect_dma source(%dma_start3A_31 : memref<10112x128xf32, #tpu.memory_space<hbm>>) target(%arg10 : memref<128x128xf32, #tpu.memory_space<vmem>>) offsets(%arg7 : memref<128xi32, #tpu.memory_space<vmem>>) semaphore(%arg13 : memref<!tpu.dma_semaphore, #tpu.memory_space<semaphore_mem>>)
      %dma_wait3A_32 = arith.constant 0 : i32
      %dma_wait3A_33 = arith.constant 0 : i32
      %dma_wait3A_34 = tpu.memref_slice %arg2[%dma_wait3A_32, %dma_wait3A_33] : memref<10112x128xf32, #tpu.memory_space<hbm>> -> memref<10112x128xf32, #tpu.memory_space<hbm>>
      tpu.wait_indirect_dma semaphore(%arg14 : memref<!tpu.dma_semaphore, #tpu.memory_space<semaphore_mem>>) src(%dma_wait3A_34 : memref<10112x128xf32, #tpu.memory_space<hbm>>) dst(%arg11 : memref<128x128xf32, #tpu.memory_space<vmem>>)
      %add3A_35 = arith.constant 1 : i32
      %add3A_36 = arith.addi %mul3A_18, %add3A_35 : i32
      "tpu.region"() ({
        %run_scoped3A_38 = tpu.sem_alloc : memref<!tpu.dma_semaphore, #tpu.memory_space<semaphore_mem>>
        %dma_start3A_39 = arith.constant 0 : i32
        %dma_start3A_40 = tpu.memref_slice %arg9[%add3A_36, %dma_start3A_39] : memref<79x128xi32, #tpu.memory_space<vmem>> -> memref<1x128xi32, #tpu.memory_space<vmem>>
        %dma_start3A_41 = tpu.memref_squeeze %dma_start3A_40 : memref<1x128xi32, #tpu.memory_space<vmem>> -> memref<128xi32, #tpu.memory_space<vmem>>
        %dma_start3A_42 = arith.constant 0 : i32
        %dma_start3A_43 = arith.constant 0 : i32
        %dma_start3A_44 = tpu.memref_slice %arg12[%dma_start3A_42, %dma_start3A_43] : memref<10112x128xf32, #tpu.memory_space<vmem_shared>> -> memref<10112x128xf32, #tpu.memory_space<vmem_shared>>
        tpu.enqueue_indirect_dma source(%arg11 : memref<128x128xf32, #tpu.memory_space<vmem>>) target(%dma_start3A_44 : memref<10112x128xf32, #tpu.memory_space<vmem_shared>>) offsets(%dma_start3A_41 : memref<128xi32, #tpu.memory_space<vmem>>) semaphore(%run_scoped3A_38 : memref<!tpu.dma_semaphore, #tpu.memory_space<semaphore_mem>>) {add = true}
        %dma_wait3A_45 = arith.constant 0 : i32
        %dma_wait3A_46 = tpu.memref_slice %arg9[%add3A_36, %dma_wait3A_45] : memref<79x128xi32, #tpu.memory_space<vmem>> -> memref<1x128xi32, #tpu.memory_space<vmem>>
        %dma_wait3A_47 = tpu.memref_squeeze %dma_wait3A_46 : memref<1x128xi32, #tpu.memory_space<vmem>> -> memref<128xi32, #tpu.memory_space<vmem>>
        %dma_wait3A_48 = arith.constant 0 : i32
        %dma_wait3A_49 = arith.constant 0 : i32
        %dma_wait3A_50 = tpu.memref_slice %arg12[%dma_wait3A_48, %dma_wait3A_49] : memref<10112x128xf32, #tpu.memory_space<vmem_shared>> -> memref<10112x128xf32, #tpu.memory_space<vmem_shared>>
        tpu.wait_indirect_dma semaphore(%run_scoped3A_38 : memref<!tpu.dma_semaphore, #tpu.memory_space<semaphore_mem>>) src(%arg11 : memref<128x128xf32, #tpu.memory_space<vmem>>) dst(%dma_wait3A_50 : memref<10112x128xf32, #tpu.memory_space<vmem_shared>>)
        tpu.yield
      }) : () -> ()
      %scan3A_37 = arith.constant 0 : i32
      scf.yield %scan3A_37 : i32
    }
    %scan3A_10 = arith.constant 39 : i32
    %dma_wait3A = arith.constant 0 : i32
    %dma_wait3A_11 = arith.constant 0 : i32
    %dma_wait3A_12 = tpu.memref_slice %arg2[%dma_wait3A, %dma_wait3A_11] : memref<10112x128xf32, #tpu.memory_space<hbm>> -> memref<10112x128xf32, #tpu.memory_space<hbm>>
    tpu.wait_indirect_dma semaphore(%arg13 : memref<!tpu.dma_semaphore, #tpu.memory_space<semaphore_mem>>) src(%dma_wait3A_12 : memref<10112x128xf32, #tpu.memory_space<hbm>>) dst(%arg10 : memref<128x128xf32, #tpu.memory_space<vmem>>)
    %run_scoped3A_13 = arith.constant 78 : i32
    "tpu.region"() ({
      %run_scoped3A_15 = tpu.sem_alloc : memref<!tpu.dma_semaphore, #tpu.memory_space<semaphore_mem>>
      %dma_start3A_16 = arith.constant 0 : i32
      %dma_start3A_17 = tpu.memref_slice %arg9[%run_scoped3A_13, %dma_start3A_16] : memref<79x128xi32, #tpu.memory_space<vmem>> -> memref<1x128xi32, #tpu.memory_space<vmem>>
      %dma_start3A_18 = tpu.memref_squeeze %dma_start3A_17 : memref<1x128xi32, #tpu.memory_space<vmem>> -> memref<128xi32, #tpu.memory_space<vmem>>
      %dma_start3A_19 = arith.constant 0 : i32
      %dma_start3A_20 = arith.constant 0 : i32
      %dma_start3A_21 = tpu.memref_slice %arg12[%dma_start3A_19, %dma_start3A_20] : memref<10112x128xf32, #tpu.memory_space<vmem_shared>> -> memref<10112x128xf32, #tpu.memory_space<vmem_shared>>
      tpu.enqueue_indirect_dma source(%arg10 : memref<128x128xf32, #tpu.memory_space<vmem>>) target(%dma_start3A_21 : memref<10112x128xf32, #tpu.memory_space<vmem_shared>>) offsets(%dma_start3A_18 : memref<128xi32, #tpu.memory_space<vmem>>) semaphore(%run_scoped3A_15 : memref<!tpu.dma_semaphore, #tpu.memory_space<semaphore_mem>>) {add = true}
      %dma_wait3A_22 = arith.constant 0 : i32
      %dma_wait3A_23 = tpu.memref_slice %arg9[%run_scoped3A_13, %dma_wait3A_22] : memref<79x128xi32, #tpu.memory_space<vmem>> -> memref<1x128xi32, #tpu.memory_space<vmem>>
      %dma_wait3A_24 = tpu.memref_squeeze %dma_wait3A_23 : memref<1x128xi32, #tpu.memory_space<vmem>> -> memref<128xi32, #tpu.memory_space<vmem>>
      %dma_wait3A_25 = arith.constant 0 : i32
      %dma_wait3A_26 = arith.constant 0 : i32
      %dma_wait3A_27 = tpu.memref_slice %arg12[%dma_wait3A_25, %dma_wait3A_26] : memref<10112x128xf32, #tpu.memory_space<vmem_shared>> -> memref<10112x128xf32, #tpu.memory_space<vmem_shared>>
      tpu.wait_indirect_dma semaphore(%run_scoped3A_15 : memref<!tpu.dma_semaphore, #tpu.memory_space<semaphore_mem>>) src(%arg10 : memref<128x128xf32, #tpu.memory_space<vmem>>) dst(%dma_wait3A_27 : memref<10112x128xf32, #tpu.memory_space<vmem_shared>>)
      tpu.yield
    }) : () -> ()
    %barrier3A_14 = arith.constant 0 : index
    tpu.barrier barrier_id(%barrier3A_14)
    "tpu.region"() ({
      %run_scoped3A_15 = tpu.sem_alloc : memref<!tpu.dma_semaphore, #tpu.memory_space<semaphore_mem>>
      %dma_start3A_16 = arith.constant 0 : i32
      %dma_start3A_17 = arith.constant 0 : i32
      %dma_start3A_18 = tpu.memref_slice %arg6[%arg0, %dma_start3A_16, %dma_start3A_17] : memref<2x10112x128xf32, #tpu.memory_space<hbm>> -> memref<1x10112x128xf32, #tpu.memory_space<hbm>>
      %dma_start3A_19 = tpu.memref_squeeze %dma_start3A_18 : memref<1x10112x128xf32, #tpu.memory_space<hbm>> -> memref<10112x128xf32, #tpu.memory_space<hbm>>
      %dma_start3A_20 = arith.constant 0 : i32
      %dma_start3A_21 = tpu.memref_slice %dma_start3A_19[%mul3A_2, %dma_start3A_20] : memref<10112x128xf32, #tpu.memory_space<hbm>> -> memref<632x128xf32, #tpu.memory_space<hbm>>
      %dma_start3A_22 = arith.constant 0 : i32
      %dma_start3A_23 = tpu.memref_slice %arg12[%mul3A_2, %dma_start3A_22] : memref<10112x128xf32, #tpu.memory_space<vmem_shared>> -> memref<632x128xf32, #tpu.memory_space<vmem_shared>>
      tpu.enqueue_dma source(%dma_start3A_23 : memref<632x128xf32, #tpu.memory_space<vmem_shared>>) target(%dma_start3A_21 : memref<632x128xf32, #tpu.memory_space<hbm>>) target_semaphore(%run_scoped3A_15 : memref<!tpu.dma_semaphore, #tpu.memory_space<semaphore_mem>>)
      %dma_wait3A_24 = arith.constant 0 : i32
      %dma_wait3A_25 = arith.constant 0 : i32
      %dma_wait3A_26 = tpu.memref_slice %arg6[%arg0, %dma_wait3A_24, %dma_wait3A_25] : memref<2x10112x128xf32, #tpu.memory_space<hbm>> -> memref<1x10112x128xf32, #tpu.memory_space<hbm>>
      %dma_wait3A_27 = tpu.memref_squeeze %dma_wait3A_26 : memref<1x10112x128xf32, #tpu.memory_space<hbm>> -> memref<10112x128xf32, #tpu.memory_space<hbm>>
      %dma_wait3A_28 = arith.constant 0 : i32
      %dma_wait3A_29 = tpu.memref_slice %dma_wait3A_27[%mul3A_2, %dma_wait3A_28] : memref<10112x128xf32, #tpu.memory_space<hbm>> -> memref<632x128xf32, #tpu.memory_space<hbm>>
      %dma_wait3A_30 = arith.constant 0 : i32
      %dma_wait3A_31 = tpu.memref_slice %arg12[%mul3A_2, %dma_wait3A_30] : memref<10112x128xf32, #tpu.memory_space<vmem_shared>> -> memref<632x128xf32, #tpu.memory_space<vmem_shared>>
      tpu.wait_dma2 semaphore(%run_scoped3A_15 : memref<!tpu.dma_semaphore, #tpu.memory_space<semaphore_mem>>) src(%dma_wait3A_31 : memref<632x128xf32, #tpu.memory_space<vmem_shared>>) dst(%dma_wait3A_29 : memref<632x128xf32, #tpu.memory_space<hbm>>)
      tpu.yield
    }) : () -> ()
    return
  }
}

module attributes {stable_mosaic.version = 14 : i64} {
  func.func @_mm_scale_body(%arg0: memref<10112x128xf32, #tpu.memory_space<vmem>>, %arg1: memref<128x128xf32, #tpu.memory_space<vmem>>, %arg2: memref<2x10112x128xf32, #tpu.memory_space<vmem>>, %arg3: memref<10112x128xf32, #tpu.memory_space<vmem>>) attributes {dimension_semantics = [], scalar_prefetch = 0 : i64, scratch_operands = 0 : i64, tpu.core_type = #tpu.core_type<tc>} {
    %get3A = arith.constant 0 : index
    %get3A_0 = arith.constant 0 : index
    %get3A_1 = arith.constant 0 : index
    %get3A_2 = vector.load %arg2[%get3A, %get3A_0, %get3A_1] : memref<2x10112x128xf32, #tpu.memory_space<vmem>>, vector<1x10112x1xf32>
    %get3A_3 = vector.shape_cast %get3A_2 : vector<1x10112x1xf32> to vector<10112x1xf32>
    %get3A_4 = arith.constant 1 : index
    %get3A_5 = arith.constant 0 : index
    %get3A_6 = arith.constant 0 : index
    %get3A_7 = vector.load %arg2[%get3A_4, %get3A_5, %get3A_6] : memref<2x10112x128xf32, #tpu.memory_space<vmem>>, vector<1x10112x1xf32>
    %get3A_8 = vector.shape_cast %get3A_7 : vector<1x10112x1xf32> to vector<10112x1xf32>
    %add3A = arith.addf %get3A_3, %get3A_8 : vector<10112x1xf32>
    %rsqrt3A = math.rsqrt %add3A : vector<10112x1xf32>
    %get3A_9 = arith.constant 0 : index
    %get3A_10 = arith.constant 0 : index
    %get3A_11 = vector.load %arg0[%get3A_9, %get3A_10] : memref<10112x128xf32, #tpu.memory_space<vmem>>, vector<10112x128xf32>
    %get3A_12 = arith.constant 0 : index
    %get3A_13 = arith.constant 0 : index
    %get3A_14 = vector.load %arg1[%get3A_12, %get3A_13] : memref<128x128xf32, #tpu.memory_space<vmem>>, vector<128x128xf32>
    %dot_general3A = arith.constant dense<0.000000e+00> : vector<10112x128xf32>
    %dot_general3A_15 = tpu.matmul %get3A_11, %get3A_14, %dot_general3A {dimension_numbers = #tpu.dot_dimension_numbers<[1], [0], [0], [1], [0, 0, 1, 1], [], []>, transpose_lhs_hint = false} : vector<10112x128xf32>, vector<128x128xf32>, vector<10112x128xf32> -> vector<10112x128xf32>
    %mul3A = vector.broadcast %rsqrt3A : vector<10112x1xf32> to vector<10112x128xf32>
    %mul3A_16 = arith.mulf %dot_general3A_15, %mul3A : vector<10112x128xf32>
    %swap3A = arith.constant 0 : index
    %swap3A_17 = arith.constant 0 : index
    %swap3A_18 = vector.load %arg3[%swap3A, %swap3A_17] : memref<10112x128xf32, #tpu.memory_space<vmem>>, vector<10112x128xf32>
    tpu.vector_store %arg3[%swap3A, %swap3A_17], %mul3A_16 {strides = array<i32>} : memref<10112x128xf32, #tpu.memory_space<vmem>>, vector<10112x128xf32>,
    return
  }
}

module attributes {stable_mosaic.version = 14 : i64} {
  func.func @_layer2_body(%arg0: memref<2x10112x128xf32, #tpu.memory_space<vmem>>, %arg1: memref<10112x128xf32, #tpu.memory_space<vmem>>, %arg2: memref<2x10112x128xf32, #tpu.memory_space<vmem>>, %arg3: memref<1x128xf32, #tpu.memory_space<vmem>>, %arg4: memref<128x128xf32, #tpu.memory_space<vmem>>, %arg5: memref<10112x128xf32, #tpu.memory_space<vmem>>) attributes {dimension_semantics = [], scalar_prefetch = 0 : i64, scratch_operands = 0 : i64, tpu.core_type = #tpu.core_type<tc>} {
    %get3A = arith.constant 0 : index
    %get3A_0 = arith.constant 0 : index
    %get3A_1 = arith.constant 0 : index
    %get3A_2 = vector.load %arg2[%get3A, %get3A_0, %get3A_1] : memref<2x10112x128xf32, #tpu.memory_space<vmem>>, vector<1x10112x1xf32>
    %get3A_3 = vector.shape_cast %get3A_2 : vector<1x10112x1xf32> to vector<10112x1xf32>
    %get3A_4 = arith.constant 1 : index
    %get3A_5 = arith.constant 0 : index
    %get3A_6 = arith.constant 0 : index
    %get3A_7 = vector.load %arg2[%get3A_4, %get3A_5, %get3A_6] : memref<2x10112x128xf32, #tpu.memory_space<vmem>>, vector<1x10112x1xf32>
    %get3A_8 = vector.shape_cast %get3A_7 : vector<1x10112x1xf32> to vector<10112x1xf32>
    %add3A = arith.addf %get3A_3, %get3A_8 : vector<10112x1xf32>
    %rsqrt3A = math.rsqrt %add3A : vector<10112x1xf32>
    %get3A_9 = arith.constant 0 : index
    %get3A_10 = arith.constant 0 : index
    %get3A_11 = arith.constant 0 : index
    %get3A_12 = vector.load %arg0[%get3A_9, %get3A_10, %get3A_11] : memref<2x10112x128xf32, #tpu.memory_space<vmem>>, vector<1x10112x128xf32>
    %get3A_13 = vector.shape_cast %get3A_12 : vector<1x10112x128xf32> to vector<10112x128xf32>
    %get3A_14 = arith.constant 1 : index
    %get3A_15 = arith.constant 0 : index
    %get3A_16 = arith.constant 0 : index
    %get3A_17 = vector.load %arg0[%get3A_14, %get3A_15, %get3A_16] : memref<2x10112x128xf32, #tpu.memory_space<vmem>>, vector<1x10112x128xf32>
    %get3A_18 = vector.shape_cast %get3A_17 : vector<1x10112x128xf32> to vector<10112x128xf32>
    %add3A_19 = arith.addf %get3A_13, %get3A_18 : vector<10112x128xf32>
    %get3A_20 = arith.constant 0 : index
    %get3A_21 = arith.constant 0 : index
    %get3A_22 = vector.load %arg1[%get3A_20, %get3A_21] : memref<10112x128xf32, #tpu.memory_space<vmem>>, vector<10112x128xf32>
    %add3A_23 = arith.addf %add3A_19, %get3A_22 : vector<10112x128xf32>
    %mul3A = vector.broadcast %rsqrt3A : vector<10112x1xf32> to vector<10112x128xf32>
    %mul3A_24 = arith.mulf %add3A_23, %mul3A : vector<10112x128xf32>
    %get3A_25 = arith.constant 0 : index
    %get3A_26 = arith.constant 0 : index
    %get3A_27 = vector.load %arg3[%get3A_25, %get3A_26] : memref<1x128xf32, #tpu.memory_space<vmem>>, vector<1x128xf32>
    %add3A_28 = vector.broadcast %get3A_27 : vector<1x128xf32> to vector<10112x128xf32>
    %add3A_29 = arith.addf %mul3A_24, %add3A_28 : vector<10112x128xf32>
    %max3A = arith.constant 0.000000e+00 : f32
    %max3A_30 = vector.broadcast %max3A : f32 to vector<10112x128xf32>
    %max3A_31 = arith.maximumf %add3A_29, %max3A_30 : vector<10112x128xf32>
    %get3A_32 = arith.constant 0 : index
    %get3A_33 = arith.constant 0 : index
    %get3A_34 = vector.load %arg4[%get3A_32, %get3A_33] : memref<128x128xf32, #tpu.memory_space<vmem>>, vector<128x128xf32>
    %dot_general3A = arith.constant dense<0.000000e+00> : vector<10112x128xf32>
    %dot_general3A_35 = tpu.matmul %max3A_31, %get3A_34, %dot_general3A {dimension_numbers = #tpu.dot_dimension_numbers<[1], [0], [0], [1], [0, 0, 1, 1], [], []>, transpose_lhs_hint = false} : vector<10112x128xf32>, vector<128x128xf32>, vector<10112x128xf32> -> vector<10112x128xf32>
    %mul3A_36 = vector.broadcast %rsqrt3A : vector<10112x1xf32> to vector<10112x128xf32>
    %mul3A_37 = arith.mulf %dot_general3A_35, %mul3A_36 : vector<10112x128xf32>
    %swap3A = arith.constant 0 : index
    %swap3A_38 = arith.constant 0 : index
    %swap3A_39 = vector.load %arg5[%swap3A, %swap3A_38] : memref<10112x128xf32, #tpu.memory_space<vmem>>, vector<10112x128xf32>
    tpu.vector_store %arg5[%swap3A, %swap3A_38], %mul3A_37 {strides = array<i32>} : memref<10112x128xf32, #tpu.memory_space<vmem>>, vector<10112x128xf32>,
    return
  }
}

module attributes {stable_mosaic.version = 14 : i64} {
  func.func @_final_body(%arg0: memref<2x10112x128xf32, #tpu.memory_space<vmem>>, %arg1: memref<10112x128xf32, #tpu.memory_space<vmem>>, %arg2: memref<2x10112x128xf32, #tpu.memory_space<vmem>>, %arg3: memref<1x128xf32, #tpu.memory_space<vmem>>, %arg4: memref<1x10112xi32, #tpu.memory_space<vmem>>, %arg5: memref<128x128xf32, #tpu.memory_space<vmem>>, %arg6: memref<1x128xf32, #tpu.memory_space<vmem>>, %arg7: memref<64x128xf32, #tpu.memory_space<vmem>>) attributes {dimension_semantics = [], scalar_prefetch = 0 : i64, scratch_operands = 0 : i64, tpu.core_type = #tpu.core_type<tc>} {
    %get3A = arith.constant 0 : index
    %get3A_0 = arith.constant 0 : index
    %get3A_1 = arith.constant 0 : index
    %get3A_2 = vector.load %arg2[%get3A, %get3A_0, %get3A_1] : memref<2x10112x128xf32, #tpu.memory_space<vmem>>, vector<1x10112x1xf32>
    %get3A_3 = vector.shape_cast %get3A_2 : vector<1x10112x1xf32> to vector<10112x1xf32>
    %get3A_4 = arith.constant 1 : index
    %get3A_5 = arith.constant 0 : index
    %get3A_6 = arith.constant 0 : index
    %get3A_7 = vector.load %arg2[%get3A_4, %get3A_5, %get3A_6] : memref<2x10112x128xf32, #tpu.memory_space<vmem>>, vector<1x10112x1xf32>
    %get3A_8 = vector.shape_cast %get3A_7 : vector<1x10112x1xf32> to vector<10112x1xf32>
    %add3A = arith.addf %get3A_3, %get3A_8 : vector<10112x1xf32>
    %rsqrt3A = math.rsqrt %add3A : vector<10112x1xf32>
    %get3A_9 = arith.constant 0 : index
    %get3A_10 = arith.constant 0 : index
    %get3A_11 = arith.constant 0 : index
    %get3A_12 = vector.load %arg0[%get3A_9, %get3A_10, %get3A_11] : memref<2x10112x128xf32, #tpu.memory_space<vmem>>, vector<1x10112x128xf32>
    %get3A_13 = vector.shape_cast %get3A_12 : vector<1x10112x128xf32> to vector<10112x128xf32>
    %get3A_14 = arith.constant 1 : index
    %get3A_15 = arith.constant 0 : index
    %get3A_16 = arith.constant 0 : index
    %get3A_17 = vector.load %arg0[%get3A_14, %get3A_15, %get3A_16] : memref<2x10112x128xf32, #tpu.memory_space<vmem>>, vector<1x10112x128xf32>
    %get3A_18 = vector.shape_cast %get3A_17 : vector<1x10112x128xf32> to vector<10112x128xf32>
    %add3A_19 = arith.addf %get3A_13, %get3A_18 : vector<10112x128xf32>
    %get3A_20 = arith.constant 0 : index
    %get3A_21 = arith.constant 0 : index
    %get3A_22 = vector.load %arg1[%get3A_20, %get3A_21] : memref<10112x128xf32, #tpu.memory_space<vmem>>, vector<10112x128xf32>
    %add3A_23 = arith.addf %add3A_19, %get3A_22 : vector<10112x128xf32>
    %mul3A = vector.broadcast %rsqrt3A : vector<10112x1xf32> to vector<10112x128xf32>
    %mul3A_24 = arith.mulf %add3A_23, %mul3A : vector<10112x128xf32>
    %get3A_25 = arith.constant 0 : index
    %get3A_26 = arith.constant 0 : index
    %get3A_27 = vector.load %arg3[%get3A_25, %get3A_26] : memref<1x128xf32, #tpu.memory_space<vmem>>, vector<1x128xf32>
    %add3A_28 = vector.broadcast %get3A_27 : vector<1x128xf32> to vector<10112x128xf32>
    %add3A_29 = arith.addf %mul3A_24, %add3A_28 : vector<10112x128xf32>
    %max3A = arith.constant 0.000000e+00 : f32
    %max3A_30 = vector.broadcast %max3A : f32 to vector<10112x128xf32>
    %max3A_31 = arith.maximumf %add3A_29, %max3A_30 : vector<10112x128xf32>
    %iota3A = tpu.iota {dimensions = array<i32: 0>} : vector<64x10112xi32>
    %get3A_32 = arith.constant 0 : index
    %get3A_33 = arith.constant 0 : index
    %get3A_34 = vector.load %arg4[%get3A_32, %get3A_33] : memref<1x10112xi32, #tpu.memory_space<vmem>>, vector<1x10112xi32>
    %eq3A = vector.broadcast %get3A_34 : vector<1x10112xi32> to vector<64x10112xi32>
    %eq3A_35 = arith.cmpi eq, %iota3A, %eq3A : vector<64x10112xi32>
    %convert_element_type3A = arith.extui %eq3A_35 : vector<64x10112xi1> to vector<64x10112xi32>
    %convert_element_type3A_36 = arith.sitofp %convert_element_type3A : vector<64x10112xi32> to vector<64x10112xf32>
    %reduce_sum3A = arith.constant dense<0.000000e+00> : vector<64xf32>
    %reduce_sum3A_37 = vector.multi_reduction <add>, %convert_element_type3A_36, %reduce_sum3A [1] : vector<64x10112xf32> to vector<64xf32>
    %broadcast_in_dim3A = vector.shape_cast %reduce_sum3A_37 : vector<64xf32> to vector<64x1xf32>
    %dot_general3A = arith.constant dense<0.000000e+00> : vector<64x128xf32>
    %dot_general3A_38 = tpu.matmul %convert_element_type3A_36, %max3A_31, %dot_general3A {dimension_numbers = #tpu.dot_dimension_numbers<[1], [0], [0], [1], [0, 0, 1, 1], [], []>, transpose_lhs_hint = false} : vector<64x10112xf32>, vector<10112x128xf32>, vector<64x128xf32> -> vector<64x128xf32>
    %max3A_39 = arith.constant 1.000000e+00 : f32
    %max3A_40 = vector.broadcast %max3A_39 : f32 to vector<64x1xf32>
    %max3A_41 = arith.maximumf %broadcast_in_dim3A, %max3A_40 : vector<64x1xf32>
    %div3A = vector.broadcast %max3A_41 : vector<64x1xf32> to vector<64x128xf32>
    %div3A_42 = arith.divf %dot_general3A_38, %div3A : vector<64x128xf32>
    %get3A_43 = arith.constant 0 : index
    %get3A_44 = arith.constant 0 : index
    %get3A_45 = vector.load %arg5[%get3A_43, %get3A_44] : memref<128x128xf32, #tpu.memory_space<vmem>>, vector<128x128xf32>
    %dot_general3A_46 = arith.constant dense<0.000000e+00> : vector<64x128xf32>
    %dot_general3A_47 = tpu.matmul %div3A_42, %get3A_45, %dot_general3A_46 {dimension_numbers = #tpu.dot_dimension_numbers<[1], [0], [0], [1], [0, 0, 1, 1], [], []>, transpose_lhs_hint = false} : vector<64x128xf32>, vector<128x128xf32>, vector<64x128xf32> -> vector<64x128xf32>
    %get3A_48 = arith.constant 0 : index
    %get3A_49 = arith.constant 0 : index
    %get3A_50 = vector.load %arg6[%get3A_48, %get3A_49] : memref<1x128xf32, #tpu.memory_space<vmem>>, vector<1x128xf32>
    %add3A_51 = vector.broadcast %get3A_50 : vector<1x128xf32> to vector<64x128xf32>
    %add3A_52 = arith.addf %dot_general3A_47, %add3A_51 : vector<64x128xf32>
    %swap3A = arith.constant 0 : index
    %swap3A_53 = arith.constant 0 : index
    %swap3A_54 = vector.load %arg7[%swap3A, %swap3A_53] : memref<64x128xf32, #tpu.memory_space<vmem>>, vector<64x128xf32>
    tpu.vector_store %arg7[%swap3A, %swap3A_53], %add3A_52 {strides = array<i32>} : memref<64x128xf32, #tpu.memory_space<vmem>>, vector<64x128xf32>,
    return
  }
}

</mosaic_0001>

<sc_bundles>
// kernel: kernel.11.cloned.1.call-start
scs
__scs_entry_jumppad:
0x0: {  	(pc) =	sbr.rel $0x88, $3  }
0x1: {  	(tag) =	ssettag $0x0;
	lr =	simm.s32 $0x1  }
0x2: {  	[smem:$0x3F98] =	sst lr;
	_ =	strace $0xD0000000  }
0x3: {  	_ = 	snop  }
0x4: {  	_ = 	snop  }
0x5: {  	_ = 	snop  }
0x6: {  	_ = 	snop  }
0x7: {  	_ = 	snop  }
__scs_overlays_trampoline_lowered:
0x8: {  	[smem:$0x3FA7] =	sst s0  }
0x9: {  	[smem:$0x3FA8] =	sst s1  }
0xa: {  	[smem:$0x3FA9] =	sst s2  }
0xb: {  	[smem:$0x3FAA] =	sst s3  }
0xc: {  	[smem:$0x3FAB] =	sst s4  }
0xd: {  	[smem:$0x3FAC] =	sst s5  }
0xe: {  	[smem:$0x3FAD] =	sst s6  }
0xf: {  	[smem:$0x3FAE] =	sst s7  }
0x10: {  	[smem:$0x3FAF] =	sst s8  }
0x11: {  	[smem:$0x3FB0] =	sst s9;
	s0 =	simm.s32 @!p0 $0x0  }
0x12: {  	s1 =	sld [smem:$0x3F96];
	s0 =	simm.s32 @p0 $0x1  }
0x13: {  	[smem:$0x3FB1] =	sst s0;
	s0 =	simm.s32 @!p1 $0x0  }
0x14: {  	s2 =	sld [smem:$0x3F95];
	s0 =	simm.s32 @p1 $0x1  }
0x15: {  	[smem:$0x3FB2] =	sst s0;
	s0 =	simm.s32 @!p2 $0x0  }
0x16: {  	s3 =	sld [smem:$0x3FDB];
	s0 =	simm.s32 @p2 $0x1  }
0x17: {  	s4 =	simm.s32 $0x1BF5;
	[smem:$0x3FB4] =	sst s0  }
0x18: {  	s0 =	sld [smem:$0x3F97];
	_ =	swait.ge [sflag:s4], $0x0  }
0x19: {  	s7 =	sld [smem:$0x3F98]  }
0x1a: {  	s8 =	sadd.s32 $0xFFFFE003, lr  }
0x1b: {  	s9 =	sadd.s32 $0xFFFFFEF7, lr;
	s5 =	simm.s32 $0xFFFFFFFF;
	p2 =	slt.u32 s8, $0xFFFFF086  }
0x1c: {  	p1 =	slt.u32 s9, $0xF7A;
	s5 =	simm.s32 @!p2 $0x0  }
0x1d: {  	s5 =	simm.s32 @p1 $0x1;
	p0 =	seq.s32 s7, s2  }
0x1e: {  	s7 =	smul.u32 @!p0 $0xF7A, s2;
	p2 =	seq.s32 @!p0 s5, $0x0  }
0x1f: {  	s9 =	smul.u32 $0xF7A, s1;
	s8 =	simm.s32 @!p0 $0x1BF5;
	p2 =	por !p2, p0  }
0x20: {  	[sflag:s8] =	ssyncset.s32 @!p0 $0xFFFFF086;
	s6 =	sadd.s32 @!p0 s3, s7;
	s7 =	simm.s32 @!p0 $0x108  }
0x21: {  	s3 =	sadd.s32 s3, s9;
	s6 =	sadd.s32 @!p0 $0x88, s6;
	s7 =	simm.s32 @p2 $0x1082  }
0x22: {  	[simem:s7], [sflag:s8] =	dma.local @!p0 [hbm:s6], $0xF7A  }
0x23: {  	s9 =	sor.u32 $0xD0000000, s2;
	s6 =	simm.s32 $0x108;
	_ =	swait.ge @!p0 [sflag:s8], $0x0  }
0x24: {  	s3 =	sadd.s32 $0x88, s3;
	s6 =	simm.s32 @!p1 $0x1082;
	[sflag:s4] =	ssyncset.s32 $0xFFFFF086  }
0x25: {  	[simem:s6], [sflag:s4] =	dma.local [hbm:s3], $0xF7A  }
0x26: {  	[smem:$0x3F98] =	sst s1;
	(tag) =	ssettag s2;
	_ =	strace s9  }
0x27: {  	s1 =	sld [smem:$0x3FA8]  }
0x28: {  	s2 =	sld [smem:$0x3FA9]  }
0x29: {  	s4 =	sld [smem:$0x3FAB]  }
0x2a: {  	p0 =	seq.s32 s5, $0x0;
	s5 =	sld [smem:$0x3FAC]  }
0x2b: {  	s6 =	sld [smem:$0x3FAD]  }
0x2c: {  	s7 =	sld [smem:$0x3FAE]  }
0x2d: {  	s3 =	simm.s32 $0x108;
	s8 =	sld [smem:$0x3FAF]  }
0x2e: {  	s3 =	simm.s32 @!p0 $0x1082;
	s9 =	sld [smem:$0x3FB0]  }
0x2f: {  	lr =	sadd.s32 s0, s3;
	s0 =	sld [smem:$0x3FA7]  }
0x30: {  	s3 =	sld [smem:$0x3FAA]  }
0x31: {  	[smem:$0x3FB3] =	sst s10  }
0x32: {  	s10 =	sld [smem:$0x3FB1];
	_ =	sdelay $0x3  }
0x33: {  	p0 =	seq.s32 s10, $0x1;
	s10 =	sld [smem:$0x3FB3];
	_ =	sdelay $0x3  }
0x34: {  	[smem:$0x3FB3] =	sst s10  }
0x35: {  	s10 =	sld [smem:$0x3FB2];
	_ =	sdelay $0x3  }
0x36: {  	p1 =	seq.s32 s10, $0x1;
	s10 =	sld [smem:$0x3FB3];
	_ =	sdelay $0x3  }
0x37: {  	[smem:$0x3FB3] =	sst s10  }
0x38: {  	s10 =	sld [smem:$0x3FB4]  }
0x39: {  	_ = 	snop;
	(pc) =	sbr.ind lr, $3  }
0x3a: {  	_ = 	snop  }
0x3b: {  	_ = 	snop  }
0x3c: {  	p2 =	seq.s32 s10, $0x1;
	s10 =	sld [smem:$0x3FB3]  }
0x3d: {  	_ =	shalt  }
0x3e: {  	_ =	shalt  }
0x3f: {  	_ =	shalt  }
0x40: {  	_ =	shalt  }
0x41: {  	_ =	shalt  }
0x42: {  	_ =	shalt  }
0x43: {  	_ =	shalt  }
0x44: {  	_ =	shalt  }
0x45: {  	_ =	shalt  }
0x46: {  	_ =	shalt  }
0x47: {  	_ =	shalt  }
0x48: {  	_ =	shalt  }
0x49: {  	_ =	shalt  }
0x4a: {  	_ =	shalt  }
0x4b: {  	_ =	shalt  }
0x4c: {  	_ =	shalt  }
0x4d: {  	_ =	shalt  }
0x4e: {  	_ =	shalt  }
0x4f: {  	_ =	shalt  }
0x50: {  	_ =	shalt  }
0x51: {  	_ =	shalt  }
0x52: {  	_ =	shalt  }
0x53: {  	_ =	shalt  }
0x54: {  	_ =	shalt  }
0x55: {  	_ =	shalt  }
0x56: {  	_ =	shalt  }
0x57: {  	_ =	shalt  }
0x58: {  	_ =	shalt  }
0x59: {  	_ =	shalt  }
0x5a: {  	_ =	shalt  }
0x5b: {  	_ =	shalt  }
0x5c: {  	_ =	shalt  }
0x5d: {  	_ =	shalt  }
0x5e: {  	_ =	shalt  }
0x5f: {  	_ =	shalt  }
0x60: {  	_ =	shalt  }
0x61: {  	_ =	shalt  }
0x62: {  	_ =	shalt  }
0x63: {  	_ =	shalt  }
0x64: {  	_ =	shalt  }
0x65: {  	_ =	shalt  }
0x66: {  	_ =	shalt  }
0x67: {  	_ =	shalt  }
0x68: {  	_ =	shalt  }
0x69: {  	_ =	shalt  }
0x6a: {  	_ =	shalt  }
0x6b: {  	_ =	shalt  }
0x6c: {  	_ =	shalt  }
0x6d: {  	_ =	shalt  }
0x6e: {  	_ =	shalt  }
0x6f: {  	_ =	shalt  }
0x70: {  	_ =	shalt  }
0x71: {  	_ =	shalt  }
0x72: {  	_ =	shalt  }
0x73: {  	_ =	shalt  }
0x74: {  	_ =	shalt  }
0x75: {  	_ =	shalt  }
0x76: {  	_ =	shalt  }
0x77: {  	_ =	shalt  }
0x78: {  	_ =	shalt  }
0x79: {  	_ =	shalt  }
0x7a: {  	_ =	shalt  }
0x7b: {  	_ =	shalt  }
0x7c: {  	_ =	shalt  }
0x7d: {  	_ =	shalt  }
0x7e: {  	_ =	shalt  }
0x7f: {  	_ =	shalt  }
0x80: {  	_ =	shalt  }
0x81: {  	_ =	shalt  }
0x82: {  	_ =	shalt  }
0x83: {  	_ =	shalt  }
0x84: {  	_ =	shalt  }
0x85: {  	_ =	shalt  }
0x86: {  	_ =	shalt  }
0x87: {  	_ =	shalt  }
.Lfunc_end0:
.L_simem_size_0:
called_computation.1_lowered:
.L_overlay_start_0:
0x88: {  	s2 =	sld [smem:$0x3FD9]  }
0x89: {  	s3 =	sld [smem:$0x3FFE];
	_ =	sdelay $0x1  }
0x8a: {  	s1 =	srdreg.scid  }
0x8b: {  	s0 =	sand.u32 $0x1, s1  }
0x8c: {  	s16 =	sshll.u32 s0, $0xA;
	s2 =	sadd.s32 s3, s2  }
0x8d: {  	s2 =	sadd.s32 s2, s16  }
0x8e: {  	[smem:$0x3FBF] =	sst s2  }
0x8f: {  	_ = 	snop  }
0x90: {  	(tm) =	ssettm $0x1  }
0x91: {  	s17 =	sld [smem:$0x3FFB];
	_ =	sdelay $0x3  }
0x92: {  	_ =	strace s17  }
0x93: {  	s2 =	sld [smem:$0x3FFC];
	_ =	sdelay $0x3  }
0x94: {  	_ =	strace s2  }
0x95: {  	s2 =	sld [smem:$0x3FFD];
	_ =	sdelay $0x3  }
0x96: {  	_ =	strace s2  }
0x97: {  	_ =	strace $0x8FFFFFFF  }
0x98: {  	s18 =	sld [smem:$0x3FDB];
	_ =	sdelay $0x1  }
0x99: {  	s19 =	simm.s32 $_scs_section_size  }
0x9a: {  	s4 =	simm.s32 $_size__tile_overlayer_lowered;
	s5 =	simm.s32 $_tile_overlayer_lowered  }
0x9b: {  	s22 =	simm.s32 $0x1BFF;
	s21 =	sshll.u32 s5, $0x1;
	s2 =	sadd.s32 s19, s18  }
0x9c: {  	s6 =	simm.s32 $0x0;
	s20 =	sshll.u32 s4, $0x1;
	s4 =	sadd.s32 s21, s2  }
0x9d: {  	[timem:s6], [sflag:s22] =	dma.local [hbm:s4], s20  }
0x9e: {  	_ =	swait.ge [sflag:s22], s20  }
0x9f: {  	s3 =	ssub.s32 $0x0, s20;
	[sflag:s22] =	ssyncset.done $0x0  }
0xa0: {  	[sflag:s22] =	ssyncadd.s32 s3;
	_ =	sdelay $0x1  }
0xa1: {  	s23 =	simm.s32 $0x1B8B  }
0xa2: {  	_ =	swait.ge [sflag:s23], $0x1  }
0xa3: {  	[sflag:s23] =	ssyncset.done $0x0  }
0xa4: {  	s25 =	simm.s32 $0x1B8E;
	s24 =	sld [smem:$0x3FFE];
	[sflag:s23] =	ssyncadd.s32 $0xFFFFFFFF  }
0xa5: {  	s26 =	simm.s32 $execute0_lowered;
	[smem:$0x3FD2] =	sst s25  }
0xa6: {  	s4 =	sshll.u32 s26, $0x1;
	_ =	strace $0x80000049;
	[dreg:$0x1] =	wrdreg $0xFFFFFFFF  }
0xa7: {  	s28 =	simm.s32 $_size_execute0_lowered;
	s2 =	sadd.s32 s2, s4;
	[dreg:$0x0] =	wrdreg $0x0  }
0xa8: {  	s4 =	sshll.u32 s28, $0x1;
	[dreg:$0x2] =	wrdreg s2  }
0xa9: {  	[dreg:$0x3] =	wrdreg s4  }
0xaa: {  	[dreg:$0x4] =	wrdreg $0xC0  }
0xab: {  	_ =	task [dreg:s6], $0x5FFFF  }
0xac: {  	[dreg:$0x1] =	wrdreg $0xFFFFFFFF  }
0xad: {  	[dreg:$0x0] =	wrdreg $0x60  }
0xae: {  	[dreg:$0x2] =	wrdreg s24  }
0xaf: {  	[dreg:$0x3] =	wrdreg $0xA9000  }
0xb0: {  	[dreg:$0x4] =	wrdreg $0x9  }
0xb1: {  	_ =	task.clear_ibuf [dreg:s6], $0x5FFFF;
	_ =	strace $0x90000049  }
0xb2: {  	s29 =	simm.s32 $0x9;
	_ =	strace $0x8000004B  }
0xb3: {  	_ =	swait.ge [sflag:s29], $0x1  }
0xb4: {  	[sflag:s29] =	ssyncadd.s32 $0xFFFFFFFF  }
0xb5: {  	_ =	strace $0x9000004B  }
0xb6: {  	_ =	sfence  }
0xb7: {  	s30 =	sld [smem:$0x0];
	_ =	sdelay $0x2  }
0xb8: {  	s31 =	sshll.u32 s1, $0xD;
	s1 =	sshrl.u32 s1, $0x2  }
0xb9: {  	s3 =	sand.u32 $0x4000, s31;
	s1 =	sadd.s32 s1, s30  }
0xba: {  	s0 =	sor.u32 s3, s0;
	s1 =	sshll.u32 s1, $0x11  }
0xbb: {  	s0 =	sor.u32 s1, s0  }
0xbc: {  	s0 =	sadd.s32 $0x8F2B, s0  }
0xbd: {  	[sflag:s0] =	ssyncadd.remote.s32 $0x1  }
0xbe: {  	_ =	sfence.sel $0xFFFF  }
0xbf: {  	[dreg:$0x0] =	wrdreg $0xFFFFFFFF;
	(pc) =	sbr.abs _section_cstart, $3  }
0xc0: {  	[dreg:$0x1] =	wrdreg $0xFFFFFFFF  }
0xc1: {  	_ =	task.clear_ibuf [dreg:s6], $0x2FFFF;
	_ =	strace $0x9FFFFFFF  }
0xc2: {  	(tm) =	ssettm $0x7FFFFFFF  }
0xc3: {  	_ =	shalt  }
tec
execute0_lowered:
.L_overlay_start_1:
0x0: {  	(tag) =	ssettag $0x1  }
0x1: {  	s6 =	rddreg [dreg:$0x0]  }
0x2: {  	s0 =	srdreg.scid;
	s2 =	rddreg [dreg:$0x1]  }
0x3: {  	s3 =	simm.s32 $0x0;
	s15 =	simm.s32 $0x6900;
	s16 =	simm.s32 $0x1  }
0x4: {  	s17 =	simm.s32 $0x2;
	s5 =	sand.u32 $0x1, s0;
	s0 =	stileid.u32  }
0x5: {  	s18 =	simm.s32 $0x2800;
	[smem:$0x7FF] =	sst s3;
	s19 =	smul.u32 $0x2780, s0  }
0x6: {  	s1 =	sshll.u32 s5, $0x4;
	s8 =	smul.u32 $0x27800, s5;
	s5 =	ssub.s32 $0x2, s5  }
0x7: {  	s28 =	smul.u32 $0x4F000, s0;
	s31 =	sshll.u32 s0, $0x6;
	s4 =	sor.u32 s0, s1  }
0x8: {  	s1 =	rddreg [dreg:$0x2];
	_ =	strace $0x8000004A;
	s29 =	sshrl.u32 s5, $0x1  }
0x9: {  	s7 =	smul.u32 $0x500, s4;
	s4 =	sadd.s32 $0x34000, s6;
	s10 =	sadd.s32 s19, s6  }
0xa: {  	s11 =	sadd.s32 s8, s6;
	s12 =	ssub.s32 s5, s29;
	s30 =	sshrl.u32 s28, $0x2  }
0xb: {  	s13 =	sadd.s32 s30, s2;
	s5 =	sadd.s32 $0xC800, s10;
	s20 =	sadd.s32 $0xB4800, s11  }
0xc: {  	s11 =	simm.s32 $0x3;
	s9 =	sadd.s32 s7, s6;
	s6 =	sor.u32 $0x1C03, s31  }
0xd: {  	s10 =	sshrl.u32 s13, $0x3;
	s13 =	simm.s32 $0x2900;
	s19 =	sadd.s32 s19, s20  }
0xe: {  	s20 =	simm.s32 $0x0;
	s7 =	sadd.s32 $0x2800, s9;
	s8 =	sadd.s32 $0xAA800, s9  }
0xf: {  	s9 =	smax.u32 s12, $0x1;
	s12 =	simm.s32 $0x80;
	s14 =	sadd.s32 $0x20, s8  }
.LBB2_1:
0x10: {  	[spmem:s10], [sflag:s6] =	dma.local [hbm:s5], $0x2780  }
0x11: {  	_ =	swait.ge [sflag:s11], $0x2780  }
0x12: {  	[sflag:s11] =	ssyncset.done $0x0  }
0x13: {  	s21 =	simm.s32 $0x100;
	[sflag:s11] =	ssyncadd.s32 $0xFFFFD880  }
0x14: {  	[tilespmem:s21], [sflag:$0x3] =	stream.linear.gather [hbm4b:s7+s3], $0x2780, $0x38;
	[tilespmem:$0x1E500] =	vst v63  }
0x15: {  	_ =	swait.ge [sflag:s11], $0x2780  }
0x16: {  	[sflag:s11] =	ssyncset.done $0x0  }
0x17: {  	[sflag:s11] =	ssyncadd.s32 $0xFFFFD880  }
0x18: {  	[bflag:$0x0] =	sbarrier.arrive $0xFFFF  }
0x19: {  	[tilespmem:s3], [sflag:$0x3] =	stream.linear.gather [hbm4b:s8+s3], $0x80, $0x38;
	[tilespmem:$0x1E500] =	vst v63  }
0x1a: {  	_ =	swait.ge [sflag:s11], $0x80  }
0x1b: {  	s22 =	sand.u32 $0x780, s3;
	s23 =	simm.s32 $0x10;
	[sflag:s11] =	ssyncset.done $0x0  }
0x1c: {  	s23 =	sand.u32 $0x70, s23;
	s22 =	sadd.s32 s8, s22;
	[sflag:s11] =	ssyncadd.s32 $0xFFFFFF80  }
0x1d: {  	[tilespmem:s13], [sflag:$0x1] =	stream.indirect.gather [hbm4b:s4+s12], $0x80, s3, s12, $0xb8;
	[tilespmem:$0x1E500] =	vst v63  }
0x1e: {  	s22 =	sadd.s32 s23, s22  }
0x1f: {  	[tilespmem:s12], [sflag:$0x3] =	stream.linear.gather [hbm4b:s22+s3], $0x80, $0x38;
	[tilespmem:$0x1E500] =	vst v63  }
0x20: {  	_ =	swait.ge [sflag:s11], $0x80  }
0x21: {  	[sflag:s11] =	ssyncset.done $0x0  }
0x22: {  	[sflag:s11] =	ssyncadd.s32 $0xFFFFFF80  }
0x23: {  	[tilespmem:s15], [sflag:$0x2] =	stream.indirect.gather [hbm4b:s4+s12], $0x80, s12, s12, $0xb8;
	[tilespmem:$0x1E500] =	vst v63  }
0x24: {  	_ =	swait.ge [sflag:s16], $0x4000  }
0x25: {  	[sflag:s16] =	ssyncset.done $0x0  }
0x26: {  	[sflag:s16] =	ssyncadd.s32 $0xFFFFC000  }
0x27: {  	[spmem:s2] =	stream.indirect.scatter.add.f32 [tilespmem:s13], [sflag:$0x3], $0x80, s21, s12, $0xb8;
	[tilespmem:$0x1E500] =	vst v63  }
0x28: {  	_ =	swait.ge [sflag:s11], $0x4000  }
0x29: {  	[sflag:s11] =	ssyncset.done $0x0  }
0x2a: {  	s30 =	sadd.s32 $0x0, s14;
	[sflag:s11] =	ssyncadd.s32 $0xFFFFC000  }
0x2b: {  	[tilespmem:s3], [sflag:$0x3] =	stream.linear.gather [hbm4b:s30+s3], $0x80, $0x38;
	[tilespmem:$0x1E500] =	vst v63  }
0x2c: {  	_ =	swait.ge [sflag:s11], $0x80  }
0x2d: {  	[sflag:s11] =	ssyncset.done $0x0  }
0x2e: {  	[sflag:s11] =	ssyncadd.s32 $0xFFFFFF80  }
0x2f: {  	[tilespmem:s13], [sflag:$0x1] =	stream.indirect.gather [hbm4b:s4+s12], $0x80, s3, s12, $0xb8;
	[tilespmem:$0x1E500] =	vst v63  }
0x30: {  	_ =	swait.ge [sflag:s17], $0x4000  }
0x31: {  	s24 =	simm.s32 $0x180;
	s22 =	simm.s32 $0x20;
	[sflag:s17] =	ssyncset.done $0x0  }
0x32: {  	s31 =	simm.s32 $0x30;
	s25 =	sand.u32 $0x780, s22;
	[sflag:s17] =	ssyncadd.s32 $0xFFFFC000  }
0x33: {  	[spmem:s2] =	stream.indirect.scatter.add.f32 [tilespmem:s15], [sflag:$0x3], $0x80, s24, s12, $0xb8;
	[tilespmem:$0x1E500] =	vst v63  }
0x34: {  	s23 =	simm.s32 $0x40;
	s25 =	sadd.s32 s8, s25;
	_ =	swait.ge [sflag:s11], $0x4000  }
0x35: {  	s21 =	simm.s32 $0x200;
	s24 =	sand.u32 $0x70, s31;
	[sflag:s11] =	ssyncset.done $0x0  }
.LBB2_2:
0x36: {  	s24 =	sadd.s32 s24, s25  }
0x37: {  	[sflag:s11] =	ssyncadd.s32 $0xFFFFC000;
	s25 =	smov.u32 s23;
	s26 =	sadd.s32 $0x20, s23  }
0x38: {  	[tilespmem:s12], [sflag:$0x3] =	stream.linear.gather [hbm4b:s24+s3], $0x80, $0x38;
	[tilespmem:$0x1E500] =	vst v63  }
0x39: {  	p0 =	sne.s32 s23, $0x4C0;
	_ =	swait.ge [sflag:s11], $0x80  }
0x3a: {  	[sflag:s11] =	ssyncset.done $0x0  }
0x3b: {  	[sflag:s11] =	ssyncadd.s32 $0xFFFFFF80  }
0x3c: {  	[tilespmem:s15], [sflag:$0x2] =	stream.indirect.gather [hbm4b:s4+s12], $0x80, s12, s12, $0xb8;
	[tilespmem:$0x1E500] =	vst v63  }
0x3d: {  	_ =	swait.ge [sflag:s16], $0x4000  }
0x3e: {  	[sflag:s16] =	ssyncset.done $0x0  }
0x3f: {  	[sflag:s16] =	ssyncadd.s32 $0xFFFFC000  }
0x40: {  	[spmem:s2] =	stream.indirect.scatter.add.f32 [tilespmem:s13], [sflag:$0x3], $0x80, s21, s12, $0xb8;
	[tilespmem:$0x1E500] =	vst v63  }
0x41: {  	_ =	swait.ge [sflag:s11], $0x4000  }
0x42: {  	[sflag:s11] =	ssyncset.done $0x0  }
0x43: {  	s23 =	sadd.s32 s22, s14;
	s22 =	smov.u32 s25;
	[sflag:s11] =	ssyncadd.s32 $0xFFFFC000  }
0x44: {  	[tilespmem:s3], [sflag:$0x3] =	stream.linear.gather [hbm4b:s23+s3], $0x80, $0x38;
	[tilespmem:$0x1E500] =	vst v63  }
0x45: {  	_ =	swait.ge [sflag:s11], $0x80  }
0x46: {  	[sflag:s11] =	ssyncset.done $0x0  }
0x47: {  	[sflag:s11] =	ssyncadd.s32 $0xFFFFFF80  }
0x48: {  	[tilespmem:s13], [sflag:$0x1] =	stream.indirect.gather [hbm4b:s4+s12], $0x80, s3, s12, $0xb8;
	[tilespmem:$0x1E500] =	vst v63  }
0x49: {  	_ =	swait.ge [sflag:s17], $0x4000  }
.Ltmp0:
0x4a: {  	s24 =	sadd.s32 $0x10, s22;
	[sflag:s17] =	ssyncset.done $0x0;
	(pc) =	sbr.rel @p0 .LBB2_2-.Ltmp0, $4  }
0x4b: {  	s23 =	sadd.s32 $0x80, s21;
	s21 =	sadd.s32 $0x100, s21;
	[sflag:s17] =	ssyncadd.s32 $0xFFFFC000  }
0x4c: {  	[spmem:s2] =	stream.indirect.scatter.add.f32 [tilespmem:s15], [sflag:$0x3], $0x80, s23, s12, $0xb8;
	[tilespmem:$0x1E500] =	vst v63  }
0x4d: {  	s24 =	sand.u32 $0x70, s24;
	s23 =	sand.u32 $0x780, s22;
	_ =	swait.ge [sflag:s11], $0x4000  }
0x4e: {  	s25 =	sadd.s32 s8, s23;
	s23 =	smov.u32 s26;
	[sflag:s11] =	ssyncset.done $0x0  }
0x4f: {  	s23 =	sadd.s32 s24, s25;
	[sflag:s11] =	ssyncadd.s32 $0xFFFFC000  }
0x50: {  	[tilespmem:s12], [sflag:$0x3] =	stream.linear.gather [hbm4b:s23+s3], $0x80, $0x38;
	[tilespmem:$0x1E500] =	vst v63  }
0x51: {  	_ =	swait.ge [sflag:s11], $0x80  }
0x52: {  	[sflag:s11] =	ssyncset.done $0x0  }
0x53: {  	[sflag:s11] =	ssyncadd.s32 $0xFFFFFF80  }
0x54: {  	[tilespmem:s15], [sflag:$0x2] =	stream.indirect.gather [hbm4b:s4+s12], $0x80, s12, s12, $0xb8;
	[tilespmem:$0x1E500] =	vst v63  }
0x55: {  	_ =	swait.ge [sflag:s16], $0x4000  }
0x56: {  	[sflag:s16] =	ssyncset.done $0x0  }
0x57: {  	[sflag:s16] =	ssyncadd.s32 $0xFFFFC000  }
0x58: {  	[spmem:s2] =	stream.indirect.scatter.add.f32 [tilespmem:s13], [sflag:$0x3], $0x80, s21, s12, $0xb8;
	[tilespmem:$0x1E500] =	vst v63  }
0x59: {  	_ =	swait.ge [sflag:s11], $0x4000  }
0x5a: {  	[sflag:s11] =	ssyncset.done $0x0  }
0x5b: {  	s22 =	sadd.s32 s22, s14;
	[sflag:s11] =	ssyncadd.s32 $0xFFFFC000  }
0x5c: {  	[tilespmem:s3], [sflag:$0x3] =	stream.linear.gather [hbm4b:s22+s3], $0x80, $0x38;
	[tilespmem:$0x1E500] =	vst v63  }
0x5d: {  	_ =	swait.ge [sflag:s11], $0x80  }
0x5e: {  	[sflag:s11] =	ssyncset.done $0x0  }
0x5f: {  	[sflag:s11] =	ssyncadd.s32 $0xFFFFFF80  }
0x60: {  	[tilespmem:s13], [sflag:$0x1] =	stream.indirect.gather [hbm4b:s4+s12], $0x80, s3, s12, $0xb8;
	[tilespmem:$0x1E500] =	vst v63  }
0x61: {  	_ =	swait.ge [sflag:s17], $0x4000  }
0x62: {  	[sflag:s17] =	ssyncset.done $0x0  }
0x63: {  	s31 =	sadd.s32 $0x80, s21;
	[sflag:s17] =	ssyncadd.s32 $0xFFFFC000  }
0x64: {  	[spmem:s2] =	stream.indirect.scatter.add.f32 [tilespmem:s15], [sflag:$0x3], $0x80, s31, s12, $0xb8;
	[tilespmem:$0x1E500] =	vst v63  }
0x65: {  	_ =	swait.ge [sflag:s11], $0x4000  }
0x66: {  	[sflag:s11] =	ssyncset.done $0x0  }
0x67: {  	[sflag:s11] =	ssyncadd.s32 $0xFFFFC000  }
0x68: {  	_ =	swait.ge [sflag:s16], $0x4000  }
0x69: {  	[sflag:s16] =	ssyncset.done $0x0  }
0x6a: {  	[sflag:s16] =	ssyncadd.s32 $0xFFFFC000  }
0x6b: {  	[spmem:s2] =	stream.indirect.scatter.add.f32 [tilespmem:s13], [sflag:$0x3], $0x80, s18, s12, $0xb8;
	[tilespmem:$0x1E500] =	vst v63  }
0x6c: {  	_ =	swait.ge [sflag:s11], $0x4000  }
0x6d: {  	s20 =	sadd.s32 $0x1, s20;
	[sflag:s11] =	ssyncset.done $0x0  }
0x6e: {  	p0 =	sne.s32 s20, s9;
	[sflag:s11] =	ssyncadd.s32 $0xFFFFC000  }
.Ltmp1:
0x6f: {  	[bflag:$0x0] =	sbarrier.arrive $0xFFFF;
	(pc) =	sbr.rel @p0 .LBB2_1-.Ltmp1, $4  }
0x70: {  	[hbm:s19], [sflag:s6] =	dma.local [spmem:s10], $0x2780  }
0x71: {  	_ =	swait.ge [sflag:s11], $0x2780  }
0x72: {  	[sflag:s11] =	ssyncset.done $0x0  }
0x73: {  	[sflag:s11] =	ssyncadd.s32 $0xFFFFD880  }
0x74: {  	_ =	sfence.sel $0x180000  }
0x75: {  	[bflag:$0x0] =	sbarrier.arrive $0xFFFF  }
0x76: {  	p0 =	sne.s32 s0, $0x0;
	_ =	strace $0x9000004A  }
0x77: {  	s0 =	sadd.s32 @!p0 $0x100000, s1;
	[bflag:$0x2] =	sbarrier.arrive $0xFFFF  }
0x78: {  	[sflag:s0] =	ssyncadd.tile.s32 @!p0 $0x1;
	_ =	shalt  }
.Lfunc_end2:
_tile_overlayer_lowered:
.L_overlay_start_2:
0x79: {  	(tag) =	ssettag $0x2  }
0x7a: {  	s0 =	rddreg [dreg:$0x0];
	s2 =	stileid.u32  }
0x7b: {  	s1 =	rddreg [dreg:$0x1];
	p0 =	sne.s32 s2, $0x0  }
0x7c: {  	s3 =	rddreg [dreg:$0x2];
	[bflag:$0x3] =	sbarrier.arrive $0xFFFF;
	s2 =	simm.s32 @!p0 $0x1C03  }
0x7d: {  	[timem:s3], [sflag:s2] =	dma.local @!p0 [hbm:s0], s1  }
0x7e: {  	s0 =	simm.s32 @!p0 $0x3  }
0x7f: {  	_ =	swait.ge @!p0 [sflag:s0], s1  }
0x80: {  	s1 =	ssub.s32 @!p0 $0x0, s1;
	[sflag:s0] =	ssyncset.done @!p0 $0x0  }
0x81: {  	[sflag:s0] =	ssyncadd.s32 @!p0 s1  }
0x82: {  	[bflag:$0x3] =	sbarrier.arrive $0xFFFF  }
0x83: {  	_ =	shalt  }

// kernel: kernel.14.cloned.1.call-start
scs
__scs_entry_jumppad:
0x0: {  	(pc) =	sbr.rel $0x88, $3  }
0x1: {  	(tag) =	ssettag $0x0;
	lr =	simm.s32 $0x1  }
0x2: {  	[smem:$0x3F98] =	sst lr;
	_ =	strace $0xD0000000  }
0x3: {  	_ = 	snop  }
0x4: {  	_ = 	snop  }
0x5: {  	_ = 	snop  }
0x6: {  	_ = 	snop  }
0x7: {  	_ = 	snop  }
__scs_overlays_trampoline_lowered:
0x8: {  	[smem:$0x3FA7] =	sst s0  }
0x9: {  	[smem:$0x3FA8] =	sst s1  }
0xa: {  	[smem:$0x3FA9] =	sst s2  }
0xb: {  	[smem:$0x3FAA] =	sst s3  }
0xc: {  	[smem:$0x3FAB] =	sst s4  }
0xd: {  	[smem:$0x3FAC] =	sst s5  }
0xe: {  	[smem:$0x3FAD] =	sst s6  }
0xf: {  	[smem:$0x3FAE] =	sst s7  }
0x10: {  	[smem:$0x3FAF] =	sst s8  }
0x11: {  	[smem:$0x3FB0] =	sst s9;
	s0 =	simm.s32 @!p0 $0x0  }
0x12: {  	s1 =	sld [smem:$0x3F96];
	s0 =	simm.s32 @p0 $0x1  }
0x13: {  	[smem:$0x3FB1] =	sst s0;
	s0 =	simm.s32 @!p1 $0x0  }
0x14: {  	s2 =	sld [smem:$0x3F95];
	s0 =	simm.s32 @p1 $0x1  }
0x15: {  	[smem:$0x3FB2] =	sst s0;
	s0 =	simm.s32 @!p2 $0x0  }
0x16: {  	s3 =	sld [smem:$0x3FDB];
	s0 =	simm.s32 @p2 $0x1  }
0x17: {  	s4 =	simm.s32 $0x1BF5;
	[smem:$0x3FB4] =	sst s0  }
0x18: {  	s0 =	sld [smem:$0x3F97];
	_ =	swait.ge [sflag:s4], $0x0  }
0x19: {  	s7 =	sld [smem:$0x3F98]  }
0x1a: {  	s8 =	sadd.s32 $0xFFFFE003, lr  }
0x1b: {  	s9 =	sadd.s32 $0xFFFFFEF7, lr;
	s5 =	simm.s32 $0xFFFFFFFF;
	p2 =	slt.u32 s8, $0xFFFFF086  }
0x1c: {  	p1 =	slt.u32 s9, $0xF7A;
	s5 =	simm.s32 @!p2 $0x0  }
0x1d: {  	s5 =	simm.s32 @p1 $0x1;
	p0 =	seq.s32 s7, s2  }
0x1e: {  	s7 =	smul.u32 @!p0 $0xF7A, s2;
	p2 =	seq.s32 @!p0 s5, $0x0  }
0x1f: {  	s9 =	smul.u32 $0xF7A, s1;
	s8 =	simm.s32 @!p0 $0x1BF5;
	p2 =	por !p2, p0  }
0x20: {  	[sflag:s8] =	ssyncset.s32 @!p0 $0xFFFFF086;
	s6 =	sadd.s32 @!p0 s3, s7;
	s7 =	simm.s32 @!p0 $0x108  }
0x21: {  	s3 =	sadd.s32 s3, s9;
	s6 =	sadd.s32 @!p0 $0x88, s6;
	s7 =	simm.s32 @p2 $0x1082  }
0x22: {  	[simem:s7], [sflag:s8] =	dma.local @!p0 [hbm:s6], $0xF7A  }
0x23: {  	s9 =	sor.u32 $0xD0000000, s2;
	s6 =	simm.s32 $0x108;
	_ =	swait.ge @!p0 [sflag:s8], $0x0  }
0x24: {  	s3 =	sadd.s32 $0x88, s3;
	s6 =	simm.s32 @!p1 $0x1082;
	[sflag:s4] =	ssyncset.s32 $0xFFFFF086  }
0x25: {  	[simem:s6], [sflag:s4] =	dma.local [hbm:s3], $0xF7A  }
0x26: {  	[smem:$0x3F98] =	sst s1;
	(tag) =	ssettag s2;
	_ =	strace s9  }
0x27: {  	s1 =	sld [smem:$0x3FA8]  }
0x28: {  	s2 =	sld [smem:$0x3FA9]  }
0x29: {  	s4 =	sld [smem:$0x3FAB]  }
0x2a: {  	p0 =	seq.s32 s5, $0x0;
	s5 =	sld [smem:$0x3FAC]  }
0x2b: {  	s6 =	sld [smem:$0x3FAD]  }
0x2c: {  	s7 =	sld [smem:$0x3FAE]  }
0x2d: {  	s3 =	simm.s32 $0x108;
	s8 =	sld [smem:$0x3FAF]  }
0x2e: {  	s3 =	simm.s32 @!p0 $0x1082;
	s9 =	sld [smem:$0x3FB0]  }
0x2f: {  	lr =	sadd.s32 s0, s3;
	s0 =	sld [smem:$0x3FA7]  }
0x30: {  	s3 =	sld [smem:$0x3FAA]  }
0x31: {  	[smem:$0x3FB3] =	sst s10  }
0x32: {  	s10 =	sld [smem:$0x3FB1];
	_ =	sdelay $0x3  }
0x33: {  	p0 =	seq.s32 s10, $0x1;
	s10 =	sld [smem:$0x3FB3];
	_ =	sdelay $0x3  }
0x34: {  	[smem:$0x3FB3] =	sst s10  }
0x35: {  	s10 =	sld [smem:$0x3FB2];
	_ =	sdelay $0x3  }
0x36: {  	p1 =	seq.s32 s10, $0x1;
	s10 =	sld [smem:$0x3FB3];
	_ =	sdelay $0x3  }
0x37: {  	[smem:$0x3FB3] =	sst s10  }
0x38: {  	s10 =	sld [smem:$0x3FB4]  }
0x39: {  	_ = 	snop;
	(pc) =	sbr.ind lr, $3  }
0x3a: {  	_ = 	snop  }
0x3b: {  	_ = 	snop  }
0x3c: {  	p2 =	seq.s32 s10, $0x1;
	s10 =	sld [smem:$0x3FB3]  }
0x3d: {  	_ =	shalt  }
0x3e: {  	_ =	shalt  }
0x3f: {  	_ =	shalt  }
0x40: {  	_ =	shalt  }
0x41: {  	_ =	shalt  }
0x42: {  	_ =	shalt  }
0x43: {  	_ =	shalt  }
0x44: {  	_ =	shalt  }
0x45: {  	_ =	shalt  }
0x46: {  	_ =	shalt  }
0x47: {  	_ =	shalt  }
0x48: {  	_ =	shalt  }
0x49: {  	_ =	shalt  }
0x4a: {  	_ =	shalt  }
0x4b: {  	_ =	shalt  }
0x4c: {  	_ =	shalt  }
0x4d: {  	_ =	shalt  }
0x4e: {  	_ =	shalt  }
0x4f: {  	_ =	shalt  }
0x50: {  	_ =	shalt  }
0x51: {  	_ =	shalt  }
0x52: {  	_ =	shalt  }
0x53: {  	_ =	shalt  }
0x54: {  	_ =	shalt  }
0x55: {  	_ =	shalt  }
0x56: {  	_ =	shalt  }
0x57: {  	_ =	shalt  }
0x58: {  	_ =	shalt  }
0x59: {  	_ =	shalt  }
0x5a: {  	_ =	shalt  }
0x5b: {  	_ =	shalt  }
0x5c: {  	_ =	shalt  }
0x5d: {  	_ =	shalt  }
0x5e: {  	_ =	shalt  }
0x5f: {  	_ =	shalt  }
0x60: {  	_ =	shalt  }
0x61: {  	_ =	shalt  }
0x62: {  	_ =	shalt  }
0x63: {  	_ =	shalt  }
0x64: {  	_ =	shalt  }
0x65: {  	_ =	shalt  }
0x66: {  	_ =	shalt  }
0x67: {  	_ =	shalt  }
0x68: {  	_ =	shalt  }
0x69: {  	_ =	shalt  }
0x6a: {  	_ =	shalt  }
0x6b: {  	_ =	shalt  }
0x6c: {  	_ =	shalt  }
0x6d: {  	_ =	shalt  }
0x6e: {  	_ =	shalt  }
0x6f: {  	_ =	shalt  }
0x70: {  	_ =	shalt  }
0x71: {  	_ =	shalt  }
0x72: {  	_ =	shalt  }
0x73: {  	_ =	shalt  }
0x74: {  	_ =	shalt  }
0x75: {  	_ =	shalt  }
0x76: {  	_ =	shalt  }
0x77: {  	_ =	shalt  }
0x78: {  	_ =	shalt  }
0x79: {  	_ =	shalt  }
0x7a: {  	_ =	shalt  }
0x7b: {  	_ =	shalt  }
0x7c: {  	_ =	shalt  }
0x7d: {  	_ =	shalt  }
0x7e: {  	_ =	shalt  }
0x7f: {  	_ =	shalt  }
0x80: {  	_ =	shalt  }
0x81: {  	_ =	shalt  }
0x82: {  	_ =	shalt  }
0x83: {  	_ =	shalt  }
0x84: {  	_ =	shalt  }
0x85: {  	_ =	shalt  }
0x86: {  	_ =	shalt  }
0x87: {  	_ =	shalt  }
.Lfunc_end0:
.L_simem_size_0:
called_computation.2_lowered:
.L_overlay_start_0:
0x88: {  	s2 =	sld [smem:$0x3FD9]  }
0x89: {  	s3 =	sld [smem:$0x3FFE];
	_ =	sdelay $0x1  }
0x8a: {  	s1 =	srdreg.scid  }
0x8b: {  	s0 =	sand.u32 $0x1, s1  }
0x8c: {  	s16 =	sshll.u32 s0, $0xA;
	s2 =	sadd.s32 s3, s2  }
0x8d: {  	s2 =	sadd.s32 s2, s16  }
0x8e: {  	[smem:$0x3FBF] =	sst s2  }
0x8f: {  	_ = 	snop  }
0x90: {  	(tm) =	ssettm $0x1  }
0x91: {  	s17 =	sld [smem:$0x3FFB];
	_ =	sdelay $0x3  }
0x92: {  	_ =	strace s17  }
0x93: {  	s2 =	sld [smem:$0x3FFC];
	_ =	sdelay $0x3  }
0x94: {  	_ =	strace s2  }
0x95: {  	s2 =	sld [smem:$0x3FFD];
	_ =	sdelay $0x3  }
0x96: {  	_ =	strace s2  }
0x97: {  	_ =	strace $0x8FFFFFFF  }
0x98: {  	s18 =	sld [smem:$0x3FDB];
	_ =	sdelay $0x1  }
0x99: {  	s19 =	simm.s32 $_scs_section_size  }
0x9a: {  	s4 =	simm.s32 $_size__tile_overlayer_lowered;
	s5 =	simm.s32 $_tile_overlayer_lowered  }
0x9b: {  	s22 =	simm.s32 $0x1BFF;
	s21 =	sshll.u32 s5, $0x1;
	s2 =	sadd.s32 s19, s18  }
0x9c: {  	s6 =	simm.s32 $0x0;
	s20 =	sshll.u32 s4, $0x1;
	s4 =	sadd.s32 s21, s2  }
0x9d: {  	[timem:s6], [sflag:s22] =	dma.local [hbm:s4], s20  }
0x9e: {  	_ =	swait.ge [sflag:s22], s20  }
0x9f: {  	s3 =	ssub.s32 $0x0, s20;
	[sflag:s22] =	ssyncset.done $0x0  }
0xa0: {  	[sflag:s22] =	ssyncadd.s32 s3;
	_ =	sdelay $0x1  }
0xa1: {  	s23 =	simm.s32 $0x1B8B  }
0xa2: {  	_ =	swait.ge [sflag:s23], $0x1  }
0xa3: {  	[sflag:s23] =	ssyncset.done $0x0  }
0xa4: {  	s25 =	simm.s32 $0x1B8E;
	s24 =	sld [smem:$0x3FFE];
	[sflag:s23] =	ssyncadd.s32 $0xFFFFFFFF  }
0xa5: {  	s26 =	simm.s32 $execute0_lowered;
	[smem:$0x3FD2] =	sst s25  }
0xa6: {  	s4 =	sshll.u32 s26, $0x1;
	_ =	strace $0x8000004C;
	[dreg:$0x1] =	wrdreg $0xFFFFFFFF  }
0xa7: {  	s28 =	simm.s32 $_size_execute0_lowered;
	s2 =	sadd.s32 s2, s4;
	[dreg:$0x0] =	wrdreg $0x0  }
0xa8: {  	s4 =	sshll.u32 s28, $0x1;
	[dreg:$0x2] =	wrdreg s2  }
0xa9: {  	[dreg:$0x3] =	wrdreg s4  }
0xaa: {  	[dreg:$0x4] =	wrdreg $0xC0  }
0xab: {  	_ =	task [dreg:s6], $0x5FFFF  }
0xac: {  	[dreg:$0x1] =	wrdreg $0xFFFFFFFF  }
0xad: {  	[dreg:$0x0] =	wrdreg $0x60  }
0xae: {  	[dreg:$0x2] =	wrdreg s24  }
0xaf: {  	[dreg:$0x3] =	wrdreg $0xA9000  }
0xb0: {  	[dreg:$0x4] =	wrdreg $0x9  }
0xb1: {  	_ =	task.clear_ibuf [dreg:s6], $0x5FFFF;
	_ =	strace $0x9000004C  }
0xb2: {  	s29 =	simm.s32 $0x9;
	_ =	strace $0x8000004E  }
0xb3: {  	_ =	swait.ge [sflag:s29], $0x1  }
0xb4: {  	[sflag:s29] =	ssyncadd.s32 $0xFFFFFFFF  }
0xb5: {  	_ =	strace $0x9000004E  }
0xb6: {  	_ =	sfence  }
0xb7: {  	s30 =	sld [smem:$0x0];
	_ =	sdelay $0x2  }
0xb8: {  	s31 =	sshll.u32 s1, $0xD;
	s1 =	sshrl.u32 s1, $0x2  }
0xb9: {  	s3 =	sand.u32 $0x4000, s31;
	s1 =	sadd.s32 s1, s30  }
0xba: {  	s0 =	sor.u32 s3, s0;
	s1 =	sshll.u32 s1, $0x11  }
0xbb: {  	s0 =	sor.u32 s1, s0  }
0xbc: {  	s0 =	sadd.s32 $0x8F2B, s0  }
0xbd: {  	[sflag:s0] =	ssyncadd.remote.s32 $0x1  }
0xbe: {  	_ =	sfence.sel $0xFFFF  }
0xbf: {  	[dreg:$0x0] =	wrdreg $0xFFFFFFFF;
	(pc) =	sbr.abs _section_cstart, $3  }
0xc0: {  	[dreg:$0x1] =	wrdreg $0xFFFFFFFF  }
0xc1: {  	_ =	task.clear_ibuf [dreg:s6], $0x2FFFF;
	_ =	strace $0x9FFFFFFF  }
0xc2: {  	(tm) =	ssettm $0x7FFFFFFF  }
0xc3: {  	_ =	shalt  }
tec
execute0_lowered:
.L_overlay_start_1:
0x0: {  	(tag) =	ssettag $0x1  }
0x1: {  	s6 =	rddreg [dreg:$0x0]  }
0x2: {  	s0 =	srdreg.scid;
	s2 =	rddreg [dreg:$0x1]  }
0x3: {  	s3 =	simm.s32 $0x0;
	s15 =	simm.s32 $0x6900;
	s16 =	simm.s32 $0x1  }
0x4: {  	s17 =	simm.s32 $0x2;
	s5 =	sand.u32 $0x1, s0;
	s0 =	stileid.u32  }
0x5: {  	s18 =	simm.s32 $0x2800;
	[smem:$0x7FF] =	sst s3;
	s19 =	smul.u32 $0x2780, s0  }
0x6: {  	s1 =	sshll.u32 s5, $0x4;
	s8 =	smul.u32 $0x27800, s5;
	s5 =	ssub.s32 $0x2, s5  }
0x7: {  	s28 =	smul.u32 $0x4F000, s0;
	s31 =	sshll.u32 s0, $0x6;
	s4 =	sor.u32 s0, s1  }
0x8: {  	s1 =	rddreg [dreg:$0x2];
	_ =	strace $0x8000004D;
	s29 =	sshrl.u32 s5, $0x1  }
0x9: {  	s7 =	smul.u32 $0x500, s4;
	s4 =	sadd.s32 $0x34000, s6;
	s10 =	sadd.s32 s19, s6  }
0xa: {  	s11 =	sadd.s32 s8, s6;
	s12 =	ssub.s32 s5, s29;
	s30 =	sshrl.u32 s28, $0x2  }
0xb: {  	s13 =	sadd.s32 s30, s2;
	s5 =	sadd.s32 $0xC800, s10;
	s20 =	sadd.s32 $0xB4800, s11  }
0xc: {  	s11 =	simm.s32 $0x3;
	s9 =	sadd.s32 s7, s6;
	s6 =	sor.u32 $0x1C03, s31  }
0xd: {  	s10 =	sshrl.u32 s13, $0x3;
	s13 =	simm.s32 $0x2900;
	s19 =	sadd.s32 s19, s20  }
0xe: {  	s20 =	simm.s32 $0x0;
	s7 =	sadd.s32 $0x2800, s9;
	s8 =	sadd.s32 $0xAA800, s9  }
0xf: {  	s9 =	smax.u32 s12, $0x1;
	s12 =	simm.s32 $0x80;
	s14 =	sadd.s32 $0x20, s8  }
.LBB2_1:
0x10: {  	[spmem:s10], [sflag:s6] =	dma.local [hbm:s5], $0x2780  }
0x11: {  	_ =	swait.ge [sflag:s11], $0x2780  }
0x12: {  	[sflag:s11] =	ssyncset.done $0x0  }
0x13: {  	s21 =	simm.s32 $0x100;
	[sflag:s11] =	ssyncadd.s32 $0xFFFFD880  }
0x14: {  	[tilespmem:s21], [sflag:$0x3] =	stream.linear.gather [hbm4b:s7+s3], $0x2780, $0x38;
	[tilespmem:$0x1E500] =	vst v63  }
0x15: {  	_ =	swait.ge [sflag:s11], $0x2780  }
0x16: {  	[sflag:s11] =	ssyncset.done $0x0  }
0x17: {  	[sflag:s11] =	ssyncadd.s32 $0xFFFFD880  }
0x18: {  	[bflag:$0x0] =	sbarrier.arrive $0xFFFF  }
0x19: {  	[tilespmem:s3], [sflag:$0x3] =	stream.linear.gather [hbm4b:s8+s3], $0x80, $0x38;
	[tilespmem:$0x1E500] =	vst v63  }
0x1a: {  	_ =	swait.ge [sflag:s11], $0x80  }
0x1b: {  	s22 =	sand.u32 $0x780, s3;
	s23 =	simm.s32 $0x10;
	[sflag:s11] =	ssyncset.done $0x0  }
0x1c: {  	s23 =	sand.u32 $0x70, s23;
	s22 =	sadd.s32 s8, s22;
	[sflag:s11] =	ssyncadd.s32 $0xFFFFFF80  }
0x1d: {  	[tilespmem:s13], [sflag:$0x1] =	stream.indirect.gather [hbm4b:s4+s12], $0x80, s3, s12, $0xb8;
	[tilespmem:$0x1E500] =	vst v63  }
0x1e: {  	s22 =	sadd.s32 s23, s22  }
0x1f: {  	[tilespmem:s12], [sflag:$0x3] =	stream.linear.gather [hbm4b:s22+s3], $0x80, $0x38;
	[tilespmem:$0x1E500] =	vst v63  }
0x20: {  	_ =	swait.ge [sflag:s11], $0x80  }
0x21: {  	[sflag:s11] =	ssyncset.done $0x0  }
0x22: {  	[sflag:s11] =	ssyncadd.s32 $0xFFFFFF80  }
0x23: {  	[tilespmem:s15], [sflag:$0x2] =	stream.indirect.gather [hbm4b:s4+s12], $0x80, s12, s12, $0xb8;
	[tilespmem:$0x1E500] =	vst v63  }
0x24: {  	_ =	swait.ge [sflag:s16], $0x4000  }
0x25: {  	[sflag:s16] =	ssyncset.done $0x0  }
0x26: {  	[sflag:s16] =	ssyncadd.s32 $0xFFFFC000  }
0x27: {  	[spmem:s2] =	stream.indirect.scatter.add.f32 [tilespmem:s13], [sflag:$0x3], $0x80, s21, s12, $0xb8;
	[tilespmem:$0x1E500] =	vst v63  }
0x28: {  	_ =	swait.ge [sflag:s11], $0x4000  }
0x29: {  	[sflag:s11] =	ssyncset.done $0x0  }
0x2a: {  	s30 =	sadd.s32 $0x0, s14;
	[sflag:s11] =	ssyncadd.s32 $0xFFFFC000  }
0x2b: {  	[tilespmem:s3], [sflag:$0x3] =	stream.linear.gather [hbm4b:s30+s3], $0x80, $0x38;
	[tilespmem:$0x1E500] =	vst v63  }
0x2c: {  	_ =	swait.ge [sflag:s11], $0x80  }
0x2d: {  	[sflag:s11] =	ssyncset.done $0x0  }
0x2e: {  	[sflag:s11] =	ssyncadd.s32 $0xFFFFFF80  }
0x2f: {  	[tilespmem:s13], [sflag:$0x1] =	stream.indirect.gather [hbm4b:s4+s12], $0x80, s3, s12, $0xb8;
	[tilespmem:$0x1E500] =	vst v63  }
0x30: {  	_ =	swait.ge [sflag:s17], $0x4000  }
0x31: {  	s24 =	simm.s32 $0x180;
	s22 =	simm.s32 $0x20;
	[sflag:s17] =	ssyncset.done $0x0  }
0x32: {  	s31 =	simm.s32 $0x30;
	s25 =	sand.u32 $0x780, s22;
	[sflag:s17] =	ssyncadd.s32 $0xFFFFC000  }
0x33: {  	[spmem:s2] =	stream.indirect.scatter.add.f32 [tilespmem:s15], [sflag:$0x3], $0x80, s24, s12, $0xb8;
	[tilespmem:$0x1E500] =	vst v63  }
0x34: {  	s23 =	simm.s32 $0x40;
	s25 =	sadd.s32 s8, s25;
	_ =	swait.ge [sflag:s11], $0x4000  }
0x35: {  	s21 =	simm.s32 $0x200;
	s24 =	sand.u32 $0x70, s31;
	[sflag:s11] =	ssyncset.done $0x0  }
.LBB2_2:
0x36: {  	s24 =	sadd.s32 s24, s25  }
0x37: {  	[sflag:s11] =	ssyncadd.s32 $0xFFFFC000;
	s25 =	smov.u32 s23;
	s26 =	sadd.s32 $0x20, s23  }
0x38: {  	[tilespmem:s12], [sflag:$0x3] =	stream.linear.gather [hbm4b:s24+s3], $0x80, $0x38;
	[tilespmem:$0x1E500] =	vst v63  }
0x39: {  	p0 =	sne.s32 s23, $0x4C0;
	_ =	swait.ge [sflag:s11], $0x80  }
0x3a: {  	[sflag:s11] =	ssyncset.done $0x0  }
0x3b: {  	[sflag:s11] =	ssyncadd.s32 $0xFFFFFF80  }
0x3c: {  	[tilespmem:s15], [sflag:$0x2] =	stream.indirect.gather [hbm4b:s4+s12], $0x80, s12, s12, $0xb8;
	[tilespmem:$0x1E500] =	vst v63  }
0x3d: {  	_ =	swait.ge [sflag:s16], $0x4000  }
0x3e: {  	[sflag:s16] =	ssyncset.done $0x0  }
0x3f: {  	[sflag:s16] =	ssyncadd.s32 $0xFFFFC000  }
0x40: {  	[spmem:s2] =	stream.indirect.scatter.add.f32 [tilespmem:s13], [sflag:$0x3], $0x80, s21, s12, $0xb8;
	[tilespmem:$0x1E500] =	vst v63  }
0x41: {  	_ =	swait.ge [sflag:s11], $0x4000  }
0x42: {  	[sflag:s11] =	ssyncset.done $0x0  }
0x43: {  	s23 =	sadd.s32 s22, s14;
	s22 =	smov.u32 s25;
	[sflag:s11] =	ssyncadd.s32 $0xFFFFC000  }
0x44: {  	[tilespmem:s3], [sflag:$0x3] =	stream.linear.gather [hbm4b:s23+s3], $0x80, $0x38;
	[tilespmem:$0x1E500] =	vst v63  }
0x45: {  	_ =	swait.ge [sflag:s11], $0x80  }
0x46: {  	[sflag:s11] =	ssyncset.done $0x0  }
0x47: {  	[sflag:s11] =	ssyncadd.s32 $0xFFFFFF80  }
0x48: {  	[tilespmem:s13], [sflag:$0x1] =	stream.indirect.gather [hbm4b:s4+s12], $0x80, s3, s12, $0xb8;
	[tilespmem:$0x1E500] =	vst v63  }
0x49: {  	_ =	swait.ge [sflag:s17], $0x4000  }
.Ltmp0:
0x4a: {  	s24 =	sadd.s32 $0x10, s22;
	[sflag:s17] =	ssyncset.done $0x0;
	(pc) =	sbr.rel @p0 .LBB2_2-.Ltmp0, $4  }
0x4b: {  	s23 =	sadd.s32 $0x80, s21;
	s21 =	sadd.s32 $0x100, s21;
	[sflag:s17] =	ssyncadd.s32 $0xFFFFC000  }
0x4c: {  	[spmem:s2] =	stream.indirect.scatter.add.f32 [tilespmem:s15], [sflag:$0x3], $0x80, s23, s12, $0xb8;
	[tilespmem:$0x1E500] =	vst v63  }
0x4d: {  	s24 =	sand.u32 $0x70, s24;
	s23 =	sand.u32 $0x780, s22;
	_ =	swait.ge [sflag:s11], $0x4000  }
0x4e: {  	s25 =	sadd.s32 s8, s23;
	s23 =	smov.u32 s26;
	[sflag:s11] =	ssyncset.done $0x0  }
0x4f: {  	s23 =	sadd.s32 s24, s25;
	[sflag:s11] =	ssyncadd.s32 $0xFFFFC000  }
0x50: {  	[tilespmem:s12], [sflag:$0x3] =	stream.linear.gather [hbm4b:s23+s3], $0x80, $0x38;
	[tilespmem:$0x1E500] =	vst v63  }
0x51: {  	_ =	swait.ge [sflag:s11], $0x80  }
0x52: {  	[sflag:s11] =	ssyncset.done $0x0  }
0x53: {  	[sflag:s11] =	ssyncadd.s32 $0xFFFFFF80  }
0x54: {  	[tilespmem:s15], [sflag:$0x2] =	stream.indirect.gather [hbm4b:s4+s12], $0x80, s12, s12, $0xb8;
	[tilespmem:$0x1E500] =	vst v63  }
0x55: {  	_ =	swait.ge [sflag:s16], $0x4000  }
0x56: {  	[sflag:s16] =	ssyncset.done $0x0  }
0x57: {  	[sflag:s16] =	ssyncadd.s32 $0xFFFFC000  }
0x58: {  	[spmem:s2] =	stream.indirect.scatter.add.f32 [tilespmem:s13], [sflag:$0x3], $0x80, s21, s12, $0xb8;
	[tilespmem:$0x1E500] =	vst v63  }
0x59: {  	_ =	swait.ge [sflag:s11], $0x4000  }
0x5a: {  	[sflag:s11] =	ssyncset.done $0x0  }
0x5b: {  	s22 =	sadd.s32 s22, s14;
	[sflag:s11] =	ssyncadd.s32 $0xFFFFC000  }
0x5c: {  	[tilespmem:s3], [sflag:$0x3] =	stream.linear.gather [hbm4b:s22+s3], $0x80, $0x38;
	[tilespmem:$0x1E500] =	vst v63  }
0x5d: {  	_ =	swait.ge [sflag:s11], $0x80  }
0x5e: {  	[sflag:s11] =	ssyncset.done $0x0  }
0x5f: {  	[sflag:s11] =	ssyncadd.s32 $0xFFFFFF80  }
0x60: {  	[tilespmem:s13], [sflag:$0x1] =	stream.indirect.gather [hbm4b:s4+s12], $0x80, s3, s12, $0xb8;
	[tilespmem:$0x1E500] =	vst v63  }
0x61: {  	_ =	swait.ge [sflag:s17], $0x4000  }
0x62: {  	[sflag:s17] =	ssyncset.done $0x0  }
0x63: {  	s31 =	sadd.s32 $0x80, s21;
	[sflag:s17] =	ssyncadd.s32 $0xFFFFC000  }
0x64: {  	[spmem:s2] =	stream.indirect.scatter.add.f32 [tilespmem:s15], [sflag:$0x3], $0x80, s31, s12, $0xb8;
	[tilespmem:$0x1E500] =	vst v63  }
0x65: {  	_ =	swait.ge [sflag:s11], $0x4000  }
0x66: {  	[sflag:s11] =	ssyncset.done $0x0  }
0x67: {  	[sflag:s11] =	ssyncadd.s32 $0xFFFFC000  }
0x68: {  	_ =	swait.ge [sflag:s16], $0x4000  }
0x69: {  	[sflag:s16] =	ssyncset.done $0x0  }
0x6a: {  	[sflag:s16] =	ssyncadd.s32 $0xFFFFC000  }
0x6b: {  	[spmem:s2] =	stream.indirect.scatter.add.f32 [tilespmem:s13], [sflag:$0x3], $0x80, s18, s12, $0xb8;
	[tilespmem:$0x1E500] =	vst v63  }
0x6c: {  	_ =	swait.ge [sflag:s11], $0x4000  }
0x6d: {  	s20 =	sadd.s32 $0x1, s20;
	[sflag:s11] =	ssyncset.done $0x0  }
0x6e: {  	p0 =	sne.s32 s20, s9;
	[sflag:s11] =	ssyncadd.s32 $0xFFFFC000  }
.Ltmp1:
0x6f: {  	[bflag:$0x0] =	sbarrier.arrive $0xFFFF;
	(pc) =	sbr.rel @p0 .LBB2_1-.Ltmp1, $4  }
0x70: {  	[hbm:s19], [sflag:s6] =	dma.local [spmem:s10], $0x2780  }
0x71: {  	_ =	swait.ge [sflag:s11], $0x2780  }
0x72: {  	[sflag:s11] =	ssyncset.done $0x0  }
0x73: {  	[sflag:s11] =	ssyncadd.s32 $0xFFFFD880  }
0x74: {  	_ =	sfence.sel $0x180000  }
0x75: {  	[bflag:$0x0] =	sbarrier.arrive $0xFFFF  }
0x76: {  	p0 =	sne.s32 s0, $0x0;
	_ =	strace $0x9000004D  }
0x77: {  	s0 =	sadd.s32 @!p0 $0x100000, s1;
	[bflag:$0x2] =	sbarrier.arrive $0xFFFF  }
0x78: {  	[sflag:s0] =	ssyncadd.tile.s32 @!p0 $0x1;
	_ =	shalt  }
.Lfunc_end2:
_tile_overlayer_lowered:
.L_overlay_start_2:
0x79: {  	(tag) =	ssettag $0x2  }
0x7a: {  	s0 =	rddreg [dreg:$0x0];
	s2 =	stileid.u32  }
0x7b: {  	s1 =	rddreg [dreg:$0x1];
	p0 =	sne.s32 s2, $0x0  }
0x7c: {  	s3 =	rddreg [dreg:$0x2];
	[bflag:$0x3] =	sbarrier.arrive $0xFFFF;
	s2 =	simm.s32 @!p0 $0x1C03  }
0x7d: {  	[timem:s3], [sflag:s2] =	dma.local @!p0 [hbm:s0], s1  }
0x7e: {  	s0 =	simm.s32 @!p0 $0x3  }
0x7f: {  	_ =	swait.ge @!p0 [sflag:s0], s1  }
0x80: {  	s1 =	ssub.s32 @!p0 $0x0, s1;
	[sflag:s0] =	ssyncset.done @!p0 $0x0  }
0x81: {  	[sflag:s0] =	ssyncadd.s32 @!p0 s1  }
0x82: {  	[bflag:$0x3] =	sbarrier.arrive $0xFFFF  }
0x83: {  	_ =	shalt  }

// kernel: kernel.8.cloned.1.call-start
scs
__scs_entry_jumppad:
0x0: {  	(pc) =	sbr.rel $0x88, $3  }
0x1: {  	(tag) =	ssettag $0x0;
	lr =	simm.s32 $0x1  }
0x2: {  	[smem:$0x3F98] =	sst lr;
	_ =	strace $0xD0000000  }
0x3: {  	_ = 	snop  }
0x4: {  	_ = 	snop  }
0x5: {  	_ = 	snop  }
0x6: {  	_ = 	snop  }
0x7: {  	_ = 	snop  }
__scs_overlays_trampoline_lowered:
0x8: {  	[smem:$0x3FA7] =	sst s0  }
0x9: {  	[smem:$0x3FA8] =	sst s1  }
0xa: {  	[smem:$0x3FA9] =	sst s2  }
0xb: {  	[smem:$0x3FAA] =	sst s3  }
0xc: {  	[smem:$0x3FAB] =	sst s4  }
0xd: {  	[smem:$0x3FAC] =	sst s5  }
0xe: {  	[smem:$0x3FAD] =	sst s6  }
0xf: {  	[smem:$0x3FAE] =	sst s7  }
0x10: {  	[smem:$0x3FAF] =	sst s8  }
0x11: {  	[smem:$0x3FB0] =	sst s9;
	s0 =	simm.s32 @!p0 $0x0  }
0x12: {  	s1 =	sld [smem:$0x3F96];
	s0 =	simm.s32 @p0 $0x1  }
0x13: {  	[smem:$0x3FB1] =	sst s0;
	s0 =	simm.s32 @!p1 $0x0  }
0x14: {  	s2 =	sld [smem:$0x3F95];
	s0 =	simm.s32 @p1 $0x1  }
0x15: {  	[smem:$0x3FB2] =	sst s0;
	s0 =	simm.s32 @!p2 $0x0  }
0x16: {  	s3 =	sld [smem:$0x3FDB];
	s0 =	simm.s32 @p2 $0x1  }
0x17: {  	s4 =	simm.s32 $0x1BF5;
	[smem:$0x3FB4] =	sst s0  }
0x18: {  	s0 =	sld [smem:$0x3F97];
	_ =	swait.ge [sflag:s4], $0x0  }
0x19: {  	s7 =	sld [smem:$0x3F98]  }
0x1a: {  	s8 =	sadd.s32 $0xFFFFE003, lr  }
0x1b: {  	s9 =	sadd.s32 $0xFFFFFEF7, lr;
	s5 =	simm.s32 $0xFFFFFFFF;
	p2 =	slt.u32 s8, $0xFFFFF086  }
0x1c: {  	p1 =	slt.u32 s9, $0xF7A;
	s5 =	simm.s32 @!p2 $0x0  }
0x1d: {  	s5 =	simm.s32 @p1 $0x1;
	p0 =	seq.s32 s7, s2  }
0x1e: {  	s7 =	smul.u32 @!p0 $0xF7A, s2;
	p2 =	seq.s32 @!p0 s5, $0x0  }
0x1f: {  	s9 =	smul.u32 $0xF7A, s1;
	s8 =	simm.s32 @!p0 $0x1BF5;
	p2 =	por !p2, p0  }
0x20: {  	[sflag:s8] =	ssyncset.s32 @!p0 $0xFFFFF086;
	s6 =	sadd.s32 @!p0 s3, s7;
	s7 =	simm.s32 @!p0 $0x108  }
0x21: {  	s3 =	sadd.s32 s3, s9;
	s6 =	sadd.s32 @!p0 $0x88, s6;
	s7 =	simm.s32 @p2 $0x1082  }
0x22: {  	[simem:s7], [sflag:s8] =	dma.local @!p0 [hbm:s6], $0xF7A  }
0x23: {  	s9 =	sor.u32 $0xD0000000, s2;
	s6 =	simm.s32 $0x108;
	_ =	swait.ge @!p0 [sflag:s8], $0x0  }
0x24: {  	s3 =	sadd.s32 $0x88, s3;
	s6 =	simm.s32 @!p1 $0x1082;
	[sflag:s4] =	ssyncset.s32 $0xFFFFF086  }
0x25: {  	[simem:s6], [sflag:s4] =	dma.local [hbm:s3], $0xF7A  }
0x26: {  	[smem:$0x3F98] =	sst s1;
	(tag) =	ssettag s2;
	_ =	strace s9  }
0x27: {  	s1 =	sld [smem:$0x3FA8]  }
0x28: {  	s2 =	sld [smem:$0x3FA9]  }
0x29: {  	s4 =	sld [smem:$0x3FAB]  }
0x2a: {  	p0 =	seq.s32 s5, $0x0;
	s5 =	sld [smem:$0x3FAC]  }
0x2b: {  	s6 =	sld [smem:$0x3FAD]  }
0x2c: {  	s7 =	sld [smem:$0x3FAE]  }
0x2d: {  	s3 =	simm.s32 $0x108;
	s8 =	sld [smem:$0x3FAF]  }
0x2e: {  	s3 =	simm.s32 @!p0 $0x1082;
	s9 =	sld [smem:$0x3FB0]  }
0x2f: {  	lr =	sadd.s32 s0, s3;
	s0 =	sld [smem:$0x3FA7]  }
0x30: {  	s3 =	sld [smem:$0x3FAA]  }
0x31: {  	[smem:$0x3FB3] =	sst s10  }
0x32: {  	s10 =	sld [smem:$0x3FB1];
	_ =	sdelay $0x3  }
0x33: {  	p0 =	seq.s32 s10, $0x1;
	s10 =	sld [smem:$0x3FB3];
	_ =	sdelay $0x3  }
0x34: {  	[smem:$0x3FB3] =	sst s10  }
0x35: {  	s10 =	sld [smem:$0x3FB2];
	_ =	sdelay $0x3  }
0x36: {  	p1 =	seq.s32 s10, $0x1;
	s10 =	sld [smem:$0x3FB3];
	_ =	sdelay $0x3  }
0x37: {  	[smem:$0x3FB3] =	sst s10  }
0x38: {  	s10 =	sld [smem:$0x3FB4]  }
0x39: {  	_ = 	snop;
	(pc) =	sbr.ind lr, $3  }
0x3a: {  	_ = 	snop  }
0x3b: {  	_ = 	snop  }
0x3c: {  	p2 =	seq.s32 s10, $0x1;
	s10 =	sld [smem:$0x3FB3]  }
0x3d: {  	_ =	shalt  }
0x3e: {  	_ =	shalt  }
0x3f: {  	_ =	shalt  }
0x40: {  	_ =	shalt  }
0x41: {  	_ =	shalt  }
0x42: {  	_ =	shalt  }
0x43: {  	_ =	shalt  }
0x44: {  	_ =	shalt  }
0x45: {  	_ =	shalt  }
0x46: {  	_ =	shalt  }
0x47: {  	_ =	shalt  }
0x48: {  	_ =	shalt  }
0x49: {  	_ =	shalt  }
0x4a: {  	_ =	shalt  }
0x4b: {  	_ =	shalt  }
0x4c: {  	_ =	shalt  }
0x4d: {  	_ =	shalt  }
0x4e: {  	_ =	shalt  }
0x4f: {  	_ =	shalt  }
0x50: {  	_ =	shalt  }
0x51: {  	_ =	shalt  }
0x52: {  	_ =	shalt  }
0x53: {  	_ =	shalt  }
0x54: {  	_ =	shalt  }
0x55: {  	_ =	shalt  }
0x56: {  	_ =	shalt  }
0x57: {  	_ =	shalt  }
0x58: {  	_ =	shalt  }
0x59: {  	_ =	shalt  }
0x5a: {  	_ =	shalt  }
0x5b: {  	_ =	shalt  }
0x5c: {  	_ =	shalt  }
0x5d: {  	_ =	shalt  }
0x5e: {  	_ =	shalt  }
0x5f: {  	_ =	shalt  }
0x60: {  	_ =	shalt  }
0x61: {  	_ =	shalt  }
0x62: {  	_ =	shalt  }
0x63: {  	_ =	shalt  }
0x64: {  	_ =	shalt  }
0x65: {  	_ =	shalt  }
0x66: {  	_ =	shalt  }
0x67: {  	_ =	shalt  }
0x68: {  	_ =	shalt  }
0x69: {  	_ =	shalt  }
0x6a: {  	_ =	shalt  }
0x6b: {  	_ =	shalt  }
0x6c: {  	_ =	shalt  }
0x6d: {  	_ =	shalt  }
0x6e: {  	_ =	shalt  }
0x6f: {  	_ =	shalt  }
0x70: {  	_ =	shalt  }
0x71: {  	_ =	shalt  }
0x72: {  	_ =	shalt  }
0x73: {  	_ =	shalt  }
0x74: {  	_ =	shalt  }
0x75: {  	_ =	shalt  }
0x76: {  	_ =	shalt  }
0x77: {  	_ =	shalt  }
0x78: {  	_ =	shalt  }
0x79: {  	_ =	shalt  }
0x7a: {  	_ =	shalt  }
0x7b: {  	_ =	shalt  }
0x7c: {  	_ =	shalt  }
0x7d: {  	_ =	shalt  }
0x7e: {  	_ =	shalt  }
0x7f: {  	_ =	shalt  }
0x80: {  	_ =	shalt  }
0x81: {  	_ =	shalt  }
0x82: {  	_ =	shalt  }
0x83: {  	_ =	shalt  }
0x84: {  	_ =	shalt  }
0x85: {  	_ =	shalt  }
0x86: {  	_ =	shalt  }
0x87: {  	_ =	shalt  }
.Lfunc_end0:
.L_simem_size_0:
called_computation_lowered:
.L_overlay_start_0:
0x88: {  	s2 =	sld [smem:$0x3FD9]  }
0x89: {  	s3 =	sld [smem:$0x3FFE];
	_ =	sdelay $0x1  }
0x8a: {  	s1 =	srdreg.scid  }
0x8b: {  	s0 =	sand.u32 $0x1, s1  }
0x8c: {  	s16 =	sshll.u32 s0, $0xA;
	s2 =	sadd.s32 s3, s2  }
0x8d: {  	s2 =	sadd.s32 s2, s16  }
0x8e: {  	[smem:$0x3FBF] =	sst s2  }
0x8f: {  	_ = 	snop  }
0x90: {  	(tm) =	ssettm $0x1  }
0x91: {  	s17 =	sld [smem:$0x3FFB];
	_ =	sdelay $0x3  }
0x92: {  	_ =	strace s17  }
0x93: {  	s2 =	sld [smem:$0x3FFC];
	_ =	sdelay $0x3  }
0x94: {  	_ =	strace s2  }
0x95: {  	s2 =	sld [smem:$0x3FFD];
	_ =	sdelay $0x3  }
0x96: {  	_ =	strace s2  }
0x97: {  	_ =	strace $0x8FFFFFFF  }
0x98: {  	s18 =	sld [smem:$0x3FDB];
	_ =	sdelay $0x1  }
0x99: {  	s19 =	simm.s32 $_scs_section_size  }
0x9a: {  	s4 =	simm.s32 $_size__tile_overlayer_lowered;
	s5 =	simm.s32 $_tile_overlayer_lowered  }
0x9b: {  	s22 =	simm.s32 $0x1BFF;
	s21 =	sshll.u32 s5, $0x1;
	s2 =	sadd.s32 s19, s18  }
0x9c: {  	s6 =	simm.s32 $0x0;
	s20 =	sshll.u32 s4, $0x1;
	s4 =	sadd.s32 s21, s2  }
0x9d: {  	[timem:s6], [sflag:s22] =	dma.local [hbm:s4], s20  }
0x9e: {  	_ =	swait.ge [sflag:s22], s20  }
0x9f: {  	s3 =	ssub.s32 $0x0, s20;
	[sflag:s22] =	ssyncset.done $0x0  }
0xa0: {  	[sflag:s22] =	ssyncadd.s32 s3;
	_ =	sdelay $0x1  }
0xa1: {  	s23 =	simm.s32 $0x1B8B  }
0xa2: {  	_ =	swait.ge [sflag:s23], $0x1  }
0xa3: {  	[sflag:s23] =	ssyncset.done $0x0  }
0xa4: {  	s25 =	simm.s32 $0x1B8E;
	s24 =	sld [smem:$0x3FFE];
	[sflag:s23] =	ssyncadd.s32 $0xFFFFFFFF  }
0xa5: {  	s26 =	simm.s32 $execute0_lowered;
	[smem:$0x3FD2] =	sst s25  }
0xa6: {  	s4 =	sshll.u32 s26, $0x1;
	_ =	strace $0x80000046;
	[dreg:$0x1] =	wrdreg $0xFFFFFFFF  }
0xa7: {  	s28 =	simm.s32 $_size_execute0_lowered;
	s2 =	sadd.s32 s2, s4;
	[dreg:$0x0] =	wrdreg $0x0  }
0xa8: {  	s4 =	sshll.u32 s28, $0x1;
	[dreg:$0x2] =	wrdreg s2  }
0xa9: {  	[dreg:$0x3] =	wrdreg s4  }
0xaa: {  	[dreg:$0x4] =	wrdreg $0xC0  }
0xab: {  	_ =	task [dreg:s6], $0x5FFFF  }
0xac: {  	[dreg:$0x1] =	wrdreg $0xFFFFFFFF  }
0xad: {  	[dreg:$0x0] =	wrdreg $0x60  }
0xae: {  	[dreg:$0x2] =	wrdreg s24  }
0xaf: {  	[dreg:$0x3] =	wrdreg $0x68000  }
0xb0: {  	[dreg:$0x4] =	wrdreg $0x9  }
0xb1: {  	_ =	task.clear_ibuf [dreg:s6], $0x5FFFF;
	_ =	strace $0x90000046  }
0xb2: {  	s29 =	simm.s32 $0x9;
	_ =	strace $0x80000048  }
0xb3: {  	_ =	swait.ge [sflag:s29], $0x1  }
0xb4: {  	[sflag:s29] =	ssyncadd.s32 $0xFFFFFFFF  }
0xb5: {  	_ =	strace $0x90000048  }
0xb6: {  	_ =	sfence  }
0xb7: {  	s30 =	sld [smem:$0x0];
	_ =	sdelay $0x2  }
0xb8: {  	s31 =	sshll.u32 s1, $0xD;
	s1 =	sshrl.u32 s1, $0x2  }
0xb9: {  	s3 =	sand.u32 $0x4000, s31;
	s1 =	sadd.s32 s1, s30  }
0xba: {  	s0 =	sor.u32 s3, s0;
	s1 =	sshll.u32 s1, $0x11  }
0xbb: {  	s0 =	sor.u32 s1, s0  }
0xbc: {  	s0 =	sadd.s32 $0x8F2B, s0  }
0xbd: {  	[sflag:s0] =	ssyncadd.remote.s32 $0x1  }
0xbe: {  	_ =	sfence.sel $0xFFFF  }
0xbf: {  	[dreg:$0x0] =	wrdreg $0xFFFFFFFF;
	(pc) =	sbr.abs _section_cstart, $3  }
0xc0: {  	[dreg:$0x1] =	wrdreg $0xFFFFFFFF  }
0xc1: {  	_ =	task.clear_ibuf [dreg:s6], $0x2FFFF;
	_ =	strace $0x9FFFFFFF  }
0xc2: {  	(tm) =	ssettm $0x7FFFFFFF  }
0xc3: {  	_ =	shalt  }
tec
execute0_lowered:
.L_overlay_start_1:
0x0: {  	(tag) =	ssettag $0x1  }
0x1: {  	s0 =	srdreg.scid;
	s6 =	rddreg [dreg:$0x0]  }
0x2: {  	s2 =	rddreg [dreg:$0x1];
	s3 =	simm.s32 $0x0;
	s12 =	simm.s32 $0x80  }
0x3: {  	s5 =	sand.u32 $0x1, s0;
	s0 =	stileid.u32;
	[smem:$0x7FF] =	sst s3  }
0x4: {  	s11 =	sadd.s32 $0xC800, s6;
	s1 =	sshll.u32 s5, $0x4;
	s8 =	smul.u32 $0x27800, s5  }
0x5: {  	s9 =	ssub.s32 $0x2, s5;
	s10 =	smul.u32 $0x4F000, s0;
	p0 =	seq.s32 s5, $0x0  }
0x6: {  	s13 =	smul.u32 $0x2780, s0;
	s31 =	sshll.u32 s0, $0x6;
	s4 =	sor.u32 s0, s1  }
0x7: {  	s1 =	rddreg [dreg:$0x2];
	_ =	strace $0x80000047;
	s4 =	smul.u32 $0x500, s4  }
0x8: {  	s28 =	sshrl.u32 s9, $0x1;
	s29 =	sshrl.u32 s10, $0x2;
	s10 =	simm.s32 $0x1  }
0x9: {  	s30 =	sadd.s32 s29, s2;
	s7 =	sadd.s32 s4, s6;
	s4 =	sadd.s32 $0x34000, s6  }
0xa: {  	s6 =	sadd.s32 s8, s6;
	s8 =	ssub.s32 s9, s28;
	s9 =	sshrl.u32 s30, $0x3  }
0xb: {  	s5 =	sadd.s32 $0x2800, s7;
	s14 =	sadd.s32 $0x5B800, s6;
	s11 =	smov.u32 @p0 s4  }
0xc: {  	s6 =	smax.u32 s8, $0x1;
	s8 =	sor.u32 $0x1C01, s31;
	s7 =	sadd.s32 s11, s13  }
0xd: {  	s11 =	simm.s32 $0x2800;
	s13 =	sadd.s32 s13, s14;
	s14 =	simm.s32 $0x0  }
.LBB2_1:
0xe: {  	[spmem:s9], [sflag:s8] =	dma.local [hbm:s7], $0x2780  }
0xf: {  	_ =	swait.ge [sflag:s10], $0x2780  }
0x10: {  	[sflag:s10] =	ssyncset.done $0x0  }
0x11: {  	[sflag:s10] =	ssyncadd.s32 $0xFFFFD880  }
0x12: {  	[tilespmem:s11], [sflag:$0x1] =	stream.linear.gather [hbm4b:s4+s3], $0x4000, $0x38;
	[tilespmem:$0x1A400] =	vst v63  }
0x13: {  	_ =	swait.ge [sflag:s10], $0x4000  }
0x14: {  	[sflag:s10] =	ssyncset.done $0x0  }
0x15: {  	[sflag:s10] =	ssyncadd.s32 $0xFFFFC000  }
0x16: {  	[tilespmem:s3], [sflag:$0x1] =	stream.linear.gather [hbm4b:s5+s3], $0x2780, $0x38;
	[tilespmem:$0x1A400] =	vst v63  }
0x17: {  	_ =	swait.ge [sflag:s10], $0x2780  }
0x18: {  	[sflag:s10] =	ssyncset.done $0x0  }
0x19: {  	[sflag:s10] =	ssyncadd.s32 $0xFFFFD880  }
0x1a: {  	s15 =	simm.s32 $0x0;
	[bflag:$0x0] =	sbarrier.arrive $0xFFFF  }
0x1b: {  	[spmem:s2] =	stream.indirect.scatter.add.f32 [tilespmem:s11], [sflag:$0x1], $0x80, s15, s12, $0xb8;
	[tilespmem:$0x1A400] =	vst v63  }
0x1c: {  	_ =	swait.ge [sflag:s10], $0x4000  }
0x1d: {  	s15 =	simm.s32 $0x200;
	[sflag:s10] =	ssyncset.done $0x0  }
.LBB2_2:
0x1e: {  	s16 =	sshra.s32 s15, $0x2;
	[sflag:s10] =	ssyncadd.s32 $0xFFFFC000;
	p0 =	sne.s32 s15, $0x9C00  }
0x1f: {  	[spmem:s2] =	stream.indirect.scatter.add.f32 [tilespmem:s11], [sflag:$0x1], $0x80, s16, s12, $0xb8;
	[tilespmem:$0x1A400] =	vst v63  }
.Ltmp0:
0x20: {  	_ = 	snop;
	(pc) =	sbr.rel @p0 .LBB2_2-.Ltmp0, $4  }
0x21: {  	_ = 	snop  }
0x22: {  	s15 =	sadd.s32 $0x200, s15  }
0x23: {  	_ =	swait.ge [sflag:s10], $0x4000  }
0x24: {  	[sflag:s10] =	ssyncset.done $0x0  }
0x25: {  	s14 =	sadd.s32 $0x1, s14  }
0x26: {  	[sflag:s10] =	ssyncadd.s32 $0xFFFFC000;
	p0 =	sne.s32 s14, s6  }
.Ltmp1:
0x27: {  	[bflag:$0x0] =	sbarrier.arrive $0xFFFF;
	(pc) =	sbr.rel @p0 .LBB2_1-.Ltmp1, $4  }
0x28: {  	[hbm:s13], [sflag:s8] =	dma.local [spmem:s9], $0x2780  }
0x29: {  	_ =	swait.ge [sflag:s10], $0x2780  }
0x2a: {  	[sflag:s10] =	ssyncset.done $0x0  }
0x2b: {  	[sflag:s10] =	ssyncadd.s32 $0xFFFFD880  }
0x2c: {  	_ =	sfence.sel $0x180000  }
0x2d: {  	[bflag:$0x0] =	sbarrier.arrive $0xFFFF  }
0x2e: {  	p0 =	sne.s32 s0, $0x0;
	_ =	strace $0x90000047  }
0x2f: {  	s0 =	sadd.s32 @!p0 $0x100000, s1;
	[bflag:$0x2] =	sbarrier.arrive $0xFFFF  }
0x30: {  	[sflag:s0] =	ssyncadd.tile.s32 @!p0 $0x1;
	_ =	shalt  }
.Lfunc_end2:
_tile_overlayer_lowered:
.L_overlay_start_2:
0x31: {  	(tag) =	ssettag $0x2  }
0x32: {  	s0 =	rddreg [dreg:$0x0];
	s2 =	stileid.u32  }
0x33: {  	s1 =	rddreg [dreg:$0x1];
	p0 =	sne.s32 s2, $0x0  }
0x34: {  	s3 =	rddreg [dreg:$0x2];
	[bflag:$0x3] =	sbarrier.arrive $0xFFFF;
	s2 =	simm.s32 @!p0 $0x1C01  }
0x35: {  	[timem:s3], [sflag:s2] =	dma.local @!p0 [hbm:s0], s1  }
0x36: {  	s0 =	simm.s32 @!p0 $0x1  }
0x37: {  	_ =	swait.ge @!p0 [sflag:s0], s1  }
0x38: {  	s1 =	ssub.s32 @!p0 $0x0, s1;
	[sflag:s0] =	ssyncset.done @!p0 $0x0  }
0x39: {  	[sflag:s0] =	ssyncadd.s32 @!p0 s1  }
0x3a: {  	[bflag:$0x3] =	sbarrier.arrive $0xFFFF  }
0x3b: {  	_ =	shalt  }

</sc_bundles>
